<compile_context>
chip_gen: v7x
topology: tpu7x:2x2x1
jax: 0.10.2.dev20260603
libtpu: 0.0.44.dev20260713+nightly
codegen_flags: <defaults>
</compile_context>

<pallas_src>
import functools

import jax
import jax.numpy as jnp
from jax import lax
from jax.experimental import pallas as pl
from jax.experimental.pallas import tpu as pltpu
from jax.experimental.pallas import tpu_sc as plsc

_N = 10000
_NACC = 10016
_E = 320000
_NC = 2
_NS = 16
_CHUNK = 80
_NCHUNK = 125
_EPAD = _NC * _NS * _NCHUNK * _CHUNK
_ROWS_PER_TILE = 624

_mesh = plsc.VectorSubcoreMesh(core_axis_name="c", subcore_axis_name="s")
_sc_params = pltpu.CompilerParams(use_tc_tiling_on_sc=False)



@functools.partial(
    pl.kernel,
    out_type=jax.ShapeDtypeStruct((_NC, _N), jnp.float32),
    mesh=_mesh,
    compiler_params=_sc_params,
    scratch_types=[
        pltpu.VMEM((_NCHUNK, _CHUNK), jnp.int32),
        pltpu.VMEM((_CHUNK,), jnp.float32),
        pltpu.VMEM_SHARED((_NACC,), jnp.float32),
    ],
)
def _sc_degree(row_hbm, zeros_hbm, out_hbm, ridx_v, ones_v, deg_sp):
    c = lax.axis_index("c")
    s = lax.axis_index("s")

    @pl.when(s == 0)
    def _():
        pltpu.sync_copy(zeros_hbm, deg_sp)

    pltpu.sync_copy(row_hbm.at[c, s], ridx_v)
    for i in range(_CHUNK // 16):
        ones_v[pl.ds(i * 16, 16)] = jnp.ones((16,), jnp.float32)
    plsc.subcore_barrier()

    def body(j, carry):
        pltpu.sync_copy(ones_v, deg_sp.at[ridx_v.at[j]], add=True)
        return carry

    lax.fori_loop(0, _NCHUNK, body, 0)
    plsc.subcore_barrier()

    @pl.when(s == 0)
    def _():
        pltpu.sync_copy(deg_sp.at[pl.ds(0, _N)], out_hbm.at[c])


@functools.partial(
    pl.kernel,
    out_type=jax.ShapeDtypeStruct((_NC, _N, 16), jnp.float32),
    mesh=_mesh,
    compiler_params=_sc_params,
    scratch_types=[
        pltpu.VMEM((_NCHUNK, _CHUNK), jnp.int32),
        pltpu.VMEM((_NCHUNK, _CHUNK), jnp.int32),
        [pltpu.VMEM((_CHUNK, 16), jnp.float32) for _ in range(4)],
        pltpu.VMEM_SHARED((_NACC, 16), jnp.float32),
        [pltpu.SemaphoreType.DMA for _ in range(4)],
    ],
)
def _sc_gather_scatter(row_hbm, col_hbm, table_hbm, zeros_hbm, out_hbm,
                       ridx_v, cidx_v, bufs, acc_sp, sems):
    c = lax.axis_index("c")
    s = lax.axis_index("s")

    @pl.when(s == 0)
    def _():
        pltpu.sync_copy(zeros_hbm, acc_sp)

    pltpu.sync_copy(row_hbm.at[c, s], ridx_v)
    pltpu.sync_copy(col_hbm.at[c, s], cidx_v)
    plsc.subcore_barrier()

    def fire(j, slot):
        pltpu.async_copy(table_hbm.at[cidx_v.at[j]], bufs[slot], sems[slot])

    def wait_gather(slot):
        pltpu.make_async_copy(
            table_hbm.at[cidx_v.at[0]], bufs[slot], sems[slot]).wait()

    for k in range(3):
        fire(k, k)

    def body(i, carry):
        for k in range(4):
            j = 4 * i + k
            wait_gather(k)
            pltpu.sync_copy(bufs[k], acc_sp.at[ridx_v.at[j]], add=True)

            @pl.when(j + 3 < _NCHUNK)
            def _():
                fire(j + 3, (k + 3) % 4)
        return carry

    lax.fori_loop(0, _NCHUNK // 4, body, 0)
    wait_gather(0)
    pltpu.sync_copy(bufs[0], acc_sp.at[ridx_v.at[_NCHUNK - 1]], add=True)
    plsc.subcore_barrier()

    @pl.when(s < _NS - 1)
    def _():
        rows = pl.ds(s * _ROWS_PER_TILE, _ROWS_PER_TILE)
        pltpu.sync_copy(acc_sp.at[rows], out_hbm.at[c].at[rows])

    @pl.when(s == _NS - 1)
    def _():
        last = pl.ds((_NS - 1) * _ROWS_PER_TILE, _N - (_NS - 1) * _ROWS_PER_TILE)
        pltpu.sync_copy(acc_sp.at[last], out_hbm.at[c].at[last])



def _mm1_body(degp_ref, x_ref, w0_ref, w1_ref, dis_ref, z_ref, y_ref):
    deg = degp_ref[:, 0:1] + degp_ref[:, 1:2]
    dis = jnp.where(deg > 0.0, lax.rsqrt(jnp.where(deg > 0.0, deg, 1.0)), 0.0)
    dis_ref[...] = dis
    xb = x_ref[...]
    z_ref[...] = jnp.dot(xb, w0_ref[...], preferred_element_type=jnp.float32)
    y_ref[...] = jnp.dot(dis * xb, w1_ref[...],
                         preferred_element_type=jnp.float32)


def _tc_mm1(degp_t, x, w0, w1):
    blk = 1000
    return pl.pallas_call(
        _mm1_body,
        grid=(_N // blk,),
        in_specs=[
            pl.BlockSpec((blk, 2), lambda i: (i, 0)),
            pl.BlockSpec((blk, 128), lambda i: (i, 0)),
            pl.BlockSpec((128, 16), lambda i: (0, 0)),
            pl.BlockSpec((128, 16), lambda i: (0, 0)),
        ],
        out_specs=[
            pl.BlockSpec((blk, 1), lambda i: (i, 0)),
            pl.BlockSpec((blk, 16), lambda i: (i, 0)),
            pl.BlockSpec((blk, 16), lambda i: (i, 0)),
        ],
        out_shape=[
            jax.ShapeDtypeStruct((_N, 1), jnp.float32),
            jax.ShapeDtypeStruct((_N, 16), jnp.float32),
            jax.ShapeDtypeStruct((_N, 16), jnp.float32),
        ],
    )(degp_t, x, w0, w1)


def _l1_body(z_ref, sp_ref, dis_ref, b_ref, h_ref, g_ref):
    ssum = sp_ref[0] + sp_ref[1]
    h = jnp.maximum(z_ref[...] - dis_ref[...] * ssum + b_ref[...], 0.0)
    h_ref[...] = h
    g_ref[...] = dis_ref[...] * h


def _tc_layer1(z1, s1p, dis, b1):
    return pl.pallas_call(
        _l1_body,
        out_shape=[
            jax.ShapeDtypeStruct((_N, 16), jnp.float32),
            jax.ShapeDtypeStruct((_N, 16), jnp.float32),
        ],
    )(z1, s1p, dis, b1)


def _l2_body(h_ref, sp_ref, dis_ref, w0_ref, w1_ref, b_ref, out_ref):
    t2 = -dis_ref[...] * (sp_ref[0] + sp_ref[1])
    logits = (
        jnp.dot(h_ref[...], w0_ref[...], preferred_element_type=jnp.float32)
        + jnp.dot(t2, w1_ref[...], preferred_element_type=jnp.float32)
        + b_ref[...]
    )
    m = jnp.max(logits, axis=1, keepdims=True)
    e = jnp.exp(logits - m)
    lse = jnp.log(jnp.sum(e, axis=1, keepdims=True))
    out_ref[...] = logits - m - lse


def _tc_layer2(h, s2p, dis, w0, w1, b2):
    return pl.pallas_call(
        _l2_body,
        out_shape=jax.ShapeDtypeStruct((_N, 64), jnp.float32),
    )(h, s2p, dis, w0, w1, b2)



def kernel(x, edge_index, W0_1, W1_1, b1, W0_2, W1_2, b2):
    npad = _EPAD - _E
    row = jnp.concatenate([edge_index[0], jnp.full((npad,), _N, jnp.int32)])
    col = jnp.concatenate([edge_index[1], jnp.zeros((npad,), jnp.int32)])
    row = row.reshape(_NC, _NS, _NCHUNK, _CHUNK)
    col = col.reshape(_NC, _NS, _NCHUNK, _CHUNK)
    zeros1 = jnp.zeros((_NACC,), jnp.float32)
    zeros2 = jnp.zeros((_NACC, 16), jnp.float32)

    degp = _sc_degree(row, zeros1)
    dis, z1, y1p = _tc_mm1(degp.T, x, W0_1, W1_1)
    s1p = _sc_gather_scatter(row, col, y1p, zeros2)
    h, g = _tc_layer1(z1, s1p, dis, b1)
    s2p = _sc_gather_scatter(row, col, g, zeros2)
    return _tc_layer2(h, s2p, dis, W0_2, W1_2, b2)

# --- scband reference (transcript-rebuilt; emitter-appended) ---
"""Pipeline reference for scband-cheb-net-75694503625267 (READ-ONLY COPY).

The authoritative reference and input builder live on the scoring server;
editing this copy changes nothing except your own understanding.
"""

import jax, jax.numpy as jnp
import numpy as np

N = 10000
E = 320000
D_IN = 128
HID = 16
N_CLS = 64


def setup_inputs(seed: int = 0) -> dict:
    key = jax.random.key(seed)
    ks = jax.random.split(key, 9)
    x = jax.random.normal(ks[0], (N, D_IN), dtype=jnp.float32)
    edge_index = jax.random.randint(ks[1], (2, E), 0, N, dtype=jnp.int32)
    W0_1 = jax.random.normal(ks[2], (D_IN, HID), dtype=jnp.float32) * (1.0 / np.sqrt(D_IN))
    W1_1 = jax.random.normal(ks[3], (D_IN, HID), dtype=jnp.float32) * (1.0 / np.sqrt(D_IN))
    b1 = jnp.zeros((HID,), dtype=jnp.float32)
    W0_2 = jax.random.normal(ks[4], (HID, N_CLS), dtype=jnp.float32) * (1.0 / np.sqrt(HID))
    W1_2 = jax.random.normal(ks[5], (HID, N_CLS), dtype=jnp.float32) * (1.0 / np.sqrt(HID))
    b2 = jnp.zeros((N_CLS,), dtype=jnp.float32)
    return {"x": x, "edge_index": edge_index, "W0_1": W0_1, "W1_1": W1_1, "b1": b1, "W0_2": W0_2, "W1_2": W1_2, "b2": b2}


def cheb_conv(x, edge_index, W0, W1, b):
    # ChebConv with K=2, sym normalization, lambda_max=2 (PyG defaults):
    # scaled Laplacian L_hat has zero diagonal and off-diagonal -D^-1/2 A D^-1/2.
    # Tx_0 = x ; Tx_1 = L_hat @ x ; out = Tx_0 @ W0 + Tx_1 @ W1 + b
    row = edge_index[0]
    col = edge_index[1]
    ones = jnp.ones((edge_index.shape[1],), dtype=x.dtype)
    deg = jnp.zeros((N,), dtype=x.dtype).at[row].add(ones)
    deg_inv_sqrt = jnp.where(deg > 0, 1.0 / jnp.sqrt(jnp.where(deg > 0, deg, 1.0)), 0.0)
    norm = -deg_inv_sqrt[row] * deg_inv_sqrt[col]
    msg = norm[:, None] * x[col]
    Tx1 = jnp.zeros((N, x.shape[1]), dtype=x.dtype).at[row].add(msg)
    return x @ W0 + Tx1 @ W1 + b


def reference(x, edge_index, W0_1, W1_1, b1, W0_2, W1_2, b2):
    h = cheb_conv(x, edge_index, W0_1, W1_1, b1)
    h = jax.nn.relu(h)
    # dropout is identity in eval mode
    h = cheb_conv(h, edge_index, W0_2, W1_2, b2)
    return jax.nn.log_softmax(h, axis=1)

if __name__ == "__main__":
    import jax
    _d = setup_inputs()
    print(jax.jit(kernel)(*tuple(_d.values())))

</pallas_src>

<mosaic_0001>
#map = affine_map<(d0, d1) -> (0, 0, 0, 0)>
#map1 = affine_map<(d0, d1) -> (0, 0)>
#map2 = affine_map<(d0, d1) -> (0, 0, 0)>
module attributes {stable_mosaic.version = 14 : i64} {
  func.func @_sc_gather_scatter(%arg0: i32, %arg1: i32, %arg2: memref<2x16x125x80xi32, #tpu.memory_space<hbm>>, %arg3: memref<2x16x125x80xi32, #tpu.memory_space<hbm>>, %arg4: memref<10000x16xf32, #tpu.memory_space<hbm>>, %arg5: memref<10016x16xf32, #tpu.memory_space<hbm>>, %arg6: memref<2x10000x16xf32, #tpu.memory_space<hbm>>, %arg7: memref<125x80xi32, #tpu.memory_space<vmem>>, %arg8: memref<125x80xi32, #tpu.memory_space<vmem>>, %arg9: memref<80x16xf32, #tpu.memory_space<vmem>>, %arg10: memref<80x16xf32, #tpu.memory_space<vmem>>, %arg11: memref<80x16xf32, #tpu.memory_space<vmem>>, %arg12: memref<80x16xf32, #tpu.memory_space<vmem>>, %arg13: memref<10016x16xf32, #tpu.memory_space<vmem_shared>>, %arg14: memref<!tpu.dma_semaphore, #tpu.memory_space<semaphore_mem>>, %arg15: memref<!tpu.dma_semaphore, #tpu.memory_space<semaphore_mem>>, %arg16: memref<!tpu.dma_semaphore, #tpu.memory_space<semaphore_mem>>, %arg17: memref<!tpu.dma_semaphore, #tpu.memory_space<semaphore_mem>>) attributes {dimension_semantics = [#tpu.dimension_semantics<core_parallel>, #tpu.dimension_semantics<subcore_parallel>], iteration_bounds = array<i64: 2, 16>, scalar_prefetch = 0 : i64, scratch_operands = 11 : i64, tpu.core_type = #tpu.core_type<sc_vector_subcore>, window_params = [{transform_indices = #map}, {transform_indices = #map}, {transform_indices = #map1}, {transform_indices = #map1}, {transform_indices = #map2}]} {
    %eq3A = arith.constant 0 : i32
    %eq3A_0 = arith.cmpi eq, %arg1, %eq3A : i32
    %convert_element_type3A = arith.extui %eq3A_0 : i1 to i32
    %cond3A = arith.constant 0 : i32
    %cond3A_1 = arith.cmpi ne, %convert_element_type3A, %cond3A : i32
    scf.if %cond3A_1 {
      "tpu.region"() ({
        %run_scoped3A_43 = tpu.sem_alloc : memref<!tpu.dma_semaphore, #tpu.memory_space<semaphore_mem>>
        tpu.enqueue_dma source(%arg5 : memref<10016x16xf32, #tpu.memory_space<hbm>>) target(%arg13 : memref<10016x16xf32, #tpu.memory_space<vmem_shared>>) target_semaphore(%run_scoped3A_43 : memref<!tpu.dma_semaphore, #tpu.memory_space<semaphore_mem>>)
        tpu.wait_dma2 semaphore(%run_scoped3A_43 : memref<!tpu.dma_semaphore, #tpu.memory_space<semaphore_mem>>) src(%arg5 : memref<10016x16xf32, #tpu.memory_space<hbm>>) dst(%arg13 : memref<10016x16xf32, #tpu.memory_space<vmem_shared>>)
        tpu.yield
      }) : () -> ()
    } else {
    }
    "tpu.region"() ({
      %run_scoped3A_43 = tpu.sem_alloc : memref<!tpu.dma_semaphore, #tpu.memory_space<semaphore_mem>>
      %dma_start3A_44 = arith.constant 0 : i32
      %dma_start3A_45 = arith.constant 0 : i32
      %dma_start3A_46 = tpu.memref_slice %arg2[%arg0, %arg1, %dma_start3A_44, %dma_start3A_45] : memref<2x16x125x80xi32, #tpu.memory_space<hbm>> -> memref<1x1x125x80xi32, #tpu.memory_space<hbm>>
      %dma_start3A_47 = tpu.memref_squeeze %dma_start3A_46 : memref<1x1x125x80xi32, #tpu.memory_space<hbm>> -> memref<125x80xi32, #tpu.memory_space<hbm>>
      %dma_start3A_48 = arith.constant 0 : i32
      %dma_start3A_49 = arith.constant 0 : i32
      %dma_start3A_50 = tpu.memref_slice %arg2[%arg0, %arg1, %dma_start3A_48, %dma_start3A_49] : memref<2x16x125x80xi32, #tpu.memory_space<hbm>> -> memref<1x1x125x80xi32, #tpu.memory_space<hbm>>
      %dma_start3A_51 = tpu.memref_squeeze %dma_start3A_50 : memref<1x1x125x80xi32, #tpu.memory_space<hbm>> -> memref<125x80xi32, #tpu.memory_space<hbm>>
      tpu.enqueue_dma source(%dma_start3A_51 : memref<125x80xi32, #tpu.memory_space<hbm>>) target(%arg7 : memref<125x80xi32, #tpu.memory_space<vmem>>) target_semaphore(%run_scoped3A_43 : memref<!tpu.dma_semaphore, #tpu.memory_space<semaphore_mem>>)
      %dma_wait3A_52 = arith.constant 0 : i32
      %dma_wait3A_53 = arith.constant 0 : i32
      %dma_wait3A_54 = tpu.memref_slice %arg2[%arg0, %arg1, %dma_wait3A_52, %dma_wait3A_53] : memref<2x16x125x80xi32, #tpu.memory_space<hbm>> -> memref<1x1x125x80xi32, #tpu.memory_space<hbm>>
      %dma_wait3A_55 = tpu.memref_squeeze %dma_wait3A_54 : memref<1x1x125x80xi32, #tpu.memory_space<hbm>> -> memref<125x80xi32, #tpu.memory_space<hbm>>
      %dma_wait3A_56 = arith.constant 0 : i32
      %dma_wait3A_57 = arith.constant 0 : i32
      %dma_wait3A_58 = tpu.memref_slice %arg2[%arg0, %arg1, %dma_wait3A_56, %dma_wait3A_57] : memref<2x16x125x80xi32, #tpu.memory_space<hbm>> -> memref<1x1x125x80xi32, #tpu.memory_space<hbm>>
      %dma_wait3A_59 = tpu.memref_squeeze %dma_wait3A_58 : memref<1x1x125x80xi32, #tpu.memory_space<hbm>> -> memref<125x80xi32, #tpu.memory_space<hbm>>
      tpu.wait_dma2 semaphore(%run_scoped3A_43 : memref<!tpu.dma_semaphore, #tpu.memory_space<semaphore_mem>>) src(%dma_wait3A_59 : memref<125x80xi32, #tpu.memory_space<hbm>>) dst(%arg7 : memref<125x80xi32, #tpu.memory_space<vmem>>)
      tpu.yield
    }) : () -> ()
    "tpu.region"() ({
      %run_scoped3A_43 = tpu.sem_alloc : memref<!tpu.dma_semaphore, #tpu.memory_space<semaphore_mem>>
      %dma_start3A_44 = arith.constant 0 : i32
      %dma_start3A_45 = arith.constant 0 : i32
      %dma_start3A_46 = tpu.memref_slice %arg3[%arg0, %arg1, %dma_start3A_44, %dma_start3A_45] : memref<2x16x125x80xi32, #tpu.memory_space<hbm>> -> memref<1x1x125x80xi32, #tpu.memory_space<hbm>>
      %dma_start3A_47 = tpu.memref_squeeze %dma_start3A_46 : memref<1x1x125x80xi32, #tpu.memory_space<hbm>> -> memref<125x80xi32, #tpu.memory_space<hbm>>
      %dma_start3A_48 = arith.constant 0 : i32
      %dma_start3A_49 = arith.constant 0 : i32
      %dma_start3A_50 = tpu.memref_slice %arg3[%arg0, %arg1, %dma_start3A_48, %dma_start3A_49] : memref<2x16x125x80xi32, #tpu.memory_space<hbm>> -> memref<1x1x125x80xi32, #tpu.memory_space<hbm>>
      %dma_start3A_51 = tpu.memref_squeeze %dma_start3A_50 : memref<1x1x125x80xi32, #tpu.memory_space<hbm>> -> memref<125x80xi32, #tpu.memory_space<hbm>>
      tpu.enqueue_dma source(%dma_start3A_51 : memref<125x80xi32, #tpu.memory_space<hbm>>) target(%arg8 : memref<125x80xi32, #tpu.memory_space<vmem>>) target_semaphore(%run_scoped3A_43 : memref<!tpu.dma_semaphore, #tpu.memory_space<semaphore_mem>>)
      %dma_wait3A_52 = arith.constant 0 : i32
      %dma_wait3A_53 = arith.constant 0 : i32
      %dma_wait3A_54 = tpu.memref_slice %arg3[%arg0, %arg1, %dma_wait3A_52, %dma_wait3A_53] : memref<2x16x125x80xi32, #tpu.memory_space<hbm>> -> memref<1x1x125x80xi32, #tpu.memory_space<hbm>>
      %dma_wait3A_55 = tpu.memref_squeeze %dma_wait3A_54 : memref<1x1x125x80xi32, #tpu.memory_space<hbm>> -> memref<125x80xi32, #tpu.memory_space<hbm>>
      %dma_wait3A_56 = arith.constant 0 : i32
      %dma_wait3A_57 = arith.constant 0 : i32
      %dma_wait3A_58 = tpu.memref_slice %arg3[%arg0, %arg1, %dma_wait3A_56, %dma_wait3A_57] : memref<2x16x125x80xi32, #tpu.memory_space<hbm>> -> memref<1x1x125x80xi32, #tpu.memory_space<hbm>>
      %dma_wait3A_59 = tpu.memref_squeeze %dma_wait3A_58 : memref<1x1x125x80xi32, #tpu.memory_space<hbm>> -> memref<125x80xi32, #tpu.memory_space<hbm>>
      tpu.wait_dma2 semaphore(%run_scoped3A_43 : memref<!tpu.dma_semaphore, #tpu.memory_space<semaphore_mem>>) src(%dma_wait3A_59 : memref<125x80xi32, #tpu.memory_space<hbm>>) dst(%arg8 : memref<125x80xi32, #tpu.memory_space<vmem>>)
      tpu.yield
    }) : () -> ()
    %barrier3A = arith.constant 0 : index
    tpu.barrier barrier_id(%barrier3A)
    %dma_start3A = arith.constant 0 : i32
    %dma_start3A_2 = arith.constant 0 : i32
    %dma_start3A_3 = tpu.memref_slice %arg8[%dma_start3A, %dma_start3A_2] : memref<125x80xi32, #tpu.memory_space<vmem>> -> memref<1x80xi32, #tpu.memory_space<vmem>>
    %dma_start3A_4 = tpu.memref_squeeze %dma_start3A_3 : memref<1x80xi32, #tpu.memory_space<vmem>> -> memref<80xi32, #tpu.memory_space<vmem>>
    %dma_start3A_5 = arith.constant 0 : i32
    %dma_start3A_6 = arith.constant 0 : i32
    %dma_start3A_7 = tpu.memref_slice %arg4[%dma_start3A_5, %dma_start3A_6] : memref<10000x16xf32, #tpu.memory_space<hbm>> -> memref<10000x16xf32, #tpu.memory_space<hbm>>
    tpu.enqueue_indirect_dma source(%dma_start3A_7 : memref<10000x16xf32, #tpu.memory_space<hbm>>) target(%arg9 : memref<80x16xf32, #tpu.memory_space<vmem>>) offsets(%dma_start3A_4 : memref<80xi32, #tpu.memory_space<vmem>>) semaphore(%arg14 : memref<!tpu.dma_semaphore, #tpu.memory_space<semaphore_mem>>)
    %dma_start3A_8 = arith.constant 1 : i32
    %dma_start3A_9 = arith.constant 0 : i32
    %dma_start3A_10 = tpu.memref_slice %arg8[%dma_start3A_8, %dma_start3A_9] : memref<125x80xi32, #tpu.memory_space<vmem>> -> memref<1x80xi32, #tpu.memory_space<vmem>>
    %dma_start3A_11 = tpu.memref_squeeze %dma_start3A_10 : memref<1x80xi32, #tpu.memory_space<vmem>> -> memref<80xi32, #tpu.memory_space<vmem>>
    %dma_start3A_12 = arith.constant 0 : i32
    %dma_start3A_13 = arith.constant 0 : i32
    %dma_start3A_14 = tpu.memref_slice %arg4[%dma_start3A_12, %dma_start3A_13] : memref<10000x16xf32, #tpu.memory_space<hbm>> -> memref<10000x16xf32, #tpu.memory_space<hbm>>
    tpu.enqueue_indirect_dma source(%dma_start3A_14 : memref<10000x16xf32, #tpu.memory_space<hbm>>) target(%arg10 : memref<80x16xf32, #tpu.memory_space<vmem>>) offsets(%dma_start3A_11 : memref<80xi32, #tpu.memory_space<vmem>>) semaphore(%arg15 : memref<!tpu.dma_semaphore, #tpu.memory_space<semaphore_mem>>)
    %dma_start3A_15 = arith.constant 2 : i32
    %dma_start3A_16 = arith.constant 0 : i32
    %dma_start3A_17 = tpu.memref_slice %arg8[%dma_start3A_15, %dma_start3A_16] : memref<125x80xi32, #tpu.memory_space<vmem>> -> memref<1x80xi32, #tpu.memory_space<vmem>>
    %dma_start3A_18 = tpu.memref_squeeze %dma_start3A_17 : memref<1x80xi32, #tpu.memory_space<vmem>> -> memref<80xi32, #tpu.memory_space<vmem>>
    %dma_start3A_19 = arith.constant 0 : i32
    %dma_start3A_20 = arith.constant 0 : i32
    %dma_start3A_21 = tpu.memref_slice %arg4[%dma_start3A_19, %dma_start3A_20] : memref<10000x16xf32, #tpu.memory_space<hbm>> -> memref<10000x16xf32, #tpu.memory_space<hbm>>
    tpu.enqueue_indirect_dma source(%dma_start3A_21 : memref<10000x16xf32, #tpu.memory_space<hbm>>) target(%arg11 : memref<80x16xf32, #tpu.memory_space<vmem>>) offsets(%dma_start3A_18 : memref<80xi32, #tpu.memory_space<vmem>>) semaphore(%arg16 : memref<!tpu.dma_semaphore, #tpu.memory_space<semaphore_mem>>)
    %scan3A = arith.constant 0 : i32
    %scan3A_22 = arith.constant 0 : i32
    %scan3A_23 = arith.constant 31 : i32
    %scan3A_24 = arith.addi %scan3A_22, %scan3A_23 : i32
    %scan3A_25 = arith.constant 1 : i32
    scf.for %scan3A_43 = %scan3A_22 to %scan3A_24 step %scan3A_25  : i32 {
      %mul3A = arith.constant 4 : i32
      %mul3A_44 = arith.muli %mul3A, %scan3A_43 : i32
      %add3A = arith.constant 0 : i32
      %add3A_45 = arith.addi %mul3A_44, %add3A : i32
      %dma_wait3A_46 = arith.constant 0 : i32
      %dma_wait3A_47 = arith.constant 0 : i32
      %dma_wait3A_48 = tpu.memref_slice %arg8[%dma_wait3A_46, %dma_wait3A_47] : memref<125x80xi32, #tpu.memory_space<vmem>> -> memref<1x80xi32, #tpu.memory_space<vmem>>
      %dma_wait3A_49 = tpu.memref_squeeze %dma_wait3A_48 : memref<1x80xi32, #tpu.memory_space<vmem>> -> memref<80xi32, #tpu.memory_space<vmem>>
      %dma_wait3A_50 = arith.constant 0 : i32
      %dma_wait3A_51 = arith.constant 0 : i32
      %dma_wait3A_52 = tpu.memref_slice %arg4[%dma_wait3A_50, %dma_wait3A_51] : memref<10000x16xf32, #tpu.memory_space<hbm>> -> memref<10000x16xf32, #tpu.memory_space<hbm>>
      tpu.wait_indirect_dma semaphore(%arg14 : memref<!tpu.dma_semaphore, #tpu.memory_space<semaphore_mem>>) src(%dma_wait3A_52 : memref<10000x16xf32, #tpu.memory_space<hbm>>) dst(%arg9 : memref<80x16xf32, #tpu.memory_space<vmem>>)
      "tpu.region"() ({
        %run_scoped3A_114 = tpu.sem_alloc : memref<!tpu.dma_semaphore, #tpu.memory_space<semaphore_mem>>
        %dma_start3A_115 = arith.constant 0 : i32
        %dma_start3A_116 = tpu.memref_slice %arg7[%add3A_45, %dma_start3A_115] : memref<125x80xi32, #tpu.memory_space<vmem>> -> memref<1x80xi32, #tpu.memory_space<vmem>>
        %dma_start3A_117 = tpu.memref_squeeze %dma_start3A_116 : memref<1x80xi32, #tpu.memory_space<vmem>> -> memref<80xi32, #tpu.memory_space<vmem>>
        %dma_start3A_118 = arith.constant 0 : i32
        %dma_start3A_119 = arith.constant 0 : i32
        %dma_start3A_120 = tpu.memref_slice %arg13[%dma_start3A_118, %dma_start3A_119] : memref<10016x16xf32, #tpu.memory_space<vmem_shared>> -> memref<10016x16xf32, #tpu.memory_space<vmem_shared>>
        tpu.enqueue_indirect_dma source(%arg9 : memref<80x16xf32, #tpu.memory_space<vmem>>) target(%dma_start3A_120 : memref<10016x16xf32, #tpu.memory_space<vmem_shared>>) offsets(%dma_start3A_117 : memref<80xi32, #tpu.memory_space<vmem>>) semaphore(%run_scoped3A_114 : memref<!tpu.dma_semaphore, #tpu.memory_space<semaphore_mem>>) {add = true}
        %dma_wait3A_121 = arith.constant 0 : i32
        %dma_wait3A_122 = tpu.memref_slice %arg7[%add3A_45, %dma_wait3A_121] : memref<125x80xi32, #tpu.memory_space<vmem>> -> memref<1x80xi32, #tpu.memory_space<vmem>>
        %dma_wait3A_123 = tpu.memref_squeeze %dma_wait3A_122 : memref<1x80xi32, #tpu.memory_space<vmem>> -> memref<80xi32, #tpu.memory_space<vmem>>
        %dma_wait3A_124 = arith.constant 0 : i32
        %dma_wait3A_125 = arith.constant 0 : i32
        %dma_wait3A_126 = tpu.memref_slice %arg13[%dma_wait3A_124, %dma_wait3A_125] : memref<10016x16xf32, #tpu.memory_space<vmem_shared>> -> memref<10016x16xf32, #tpu.memory_space<vmem_shared>>
        tpu.wait_indirect_dma semaphore(%run_scoped3A_114 : memref<!tpu.dma_semaphore, #tpu.memory_space<semaphore_mem>>) src(%arg9 : memref<80x16xf32, #tpu.memory_space<vmem>>) dst(%dma_wait3A_126 : memref<10016x16xf32, #tpu.memory_space<vmem_shared>>)
        tpu.yield
      }) : () -> ()
      %add3A_53 = arith.constant 3 : i32
      %add3A_54 = arith.addi %add3A_45, %add3A_53 : i32
      %lt3A_55 = arith.constant 125 : i32
      %lt3A_56 = arith.cmpi slt, %add3A_54, %lt3A_55 : i32
      %convert_element_type3A_57 = arith.extui %lt3A_56 : i1 to i32
      %cond3A_58 = arith.constant 0 : i32
      %cond3A_59 = arith.cmpi ne, %convert_element_type3A_57, %cond3A_58 : i32
      scf.if %cond3A_59 {
        %add3A_114 = arith.constant 3 : i32
        %add3A_115 = arith.addi %add3A_45, %add3A_114 : i32
        %dma_start3A_116 = arith.constant 0 : i32
        %dma_start3A_117 = tpu.memref_slice %arg8[%add3A_115, %dma_start3A_116] : memref<125x80xi32, #tpu.memory_space<vmem>> -> memref<1x80xi32, #tpu.memory_space<vmem>>
        %dma_start3A_118 = tpu.memref_squeeze %dma_start3A_117 : memref<1x80xi32, #tpu.memory_space<vmem>> -> memref<80xi32, #tpu.memory_space<vmem>>
        %dma_start3A_119 = arith.constant 0 : i32
        %dma_start3A_120 = arith.constant 0 : i32
        %dma_start3A_121 = tpu.memref_slice %arg4[%dma_start3A_119, %dma_start3A_120] : memref<10000x16xf32, #tpu.memory_space<hbm>> -> memref<10000x16xf32, #tpu.memory_space<hbm>>
        tpu.enqueue_indirect_dma source(%dma_start3A_121 : memref<10000x16xf32, #tpu.memory_space<hbm>>) target(%arg12 : memref<80x16xf32, #tpu.memory_space<vmem>>) offsets(%dma_start3A_118 : memref<80xi32, #tpu.memory_space<vmem>>) semaphore(%arg17 : memref<!tpu.dma_semaphore, #tpu.memory_space<semaphore_mem>>)
      } else {
      }
      %mul3A_60 = arith.constant 4 : i32
      %mul3A_61 = arith.muli %mul3A_60, %scan3A_43 : i32
      %add3A_62 = arith.constant 1 : i32
      %add3A_63 = arith.addi %mul3A_61, %add3A_62 : i32
      %dma_wait3A_64 = arith.constant 0 : i32
      %dma_wait3A_65 = arith.constant 0 : i32
      %dma_wait3A_66 = tpu.memref_slice %arg8[%dma_wait3A_64, %dma_wait3A_65] : memref<125x80xi32, #tpu.memory_space<vmem>> -> memref<1x80xi32, #tpu.memory_space<vmem>>
      %dma_wait3A_67 = tpu.memref_squeeze %dma_wait3A_66 : memref<1x80xi32, #tpu.memory_space<vmem>> -> memref<80xi32, #tpu.memory_space<vmem>>
      %dma_wait3A_68 = arith.constant 0 : i32
      %dma_wait3A_69 = arith.constant 0 : i32
      %dma_wait3A_70 = tpu.memref_slice %arg4[%dma_wait3A_68, %dma_wait3A_69] : memref<10000x16xf32, #tpu.memory_space<hbm>> -> memref<10000x16xf32, #tpu.memory_space<hbm>>
      tpu.wait_indirect_dma semaphore(%arg15 : memref<!tpu.dma_semaphore, #tpu.memory_space<semaphore_mem>>) src(%dma_wait3A_70 : memref<10000x16xf32, #tpu.memory_space<hbm>>) dst(%arg10 : memref<80x16xf32, #tpu.memory_space<vmem>>)
      "tpu.region"() ({
        %run_scoped3A_114 = tpu.sem_alloc : memref<!tpu.dma_semaphore, #tpu.memory_space<semaphore_mem>>
        %dma_start3A_115 = arith.constant 0 : i32
        %dma_start3A_116 = tpu.memref_slice %arg7[%add3A_63, %dma_start3A_115] : memref<125x80xi32, #tpu.memory_space<vmem>> -> memref<1x80xi32, #tpu.memory_space<vmem>>
        %dma_start3A_117 = tpu.memref_squeeze %dma_start3A_116 : memref<1x80xi32, #tpu.memory_space<vmem>> -> memref<80xi32, #tpu.memory_space<vmem>>
        %dma_start3A_118 = arith.constant 0 : i32
        %dma_start3A_119 = arith.constant 0 : i32
        %dma_start3A_120 = tpu.memref_slice %arg13[%dma_start3A_118, %dma_start3A_119] : memref<10016x16xf32, #tpu.memory_space<vmem_shared>> -> memref<10016x16xf32, #tpu.memory_space<vmem_shared>>
        tpu.enqueue_indirect_dma source(%arg10 : memref<80x16xf32, #tpu.memory_space<vmem>>) target(%dma_start3A_120 : memref<10016x16xf32, #tpu.memory_space<vmem_shared>>) offsets(%dma_start3A_117 : memref<80xi32, #tpu.memory_space<vmem>>) semaphore(%run_scoped3A_114 : memref<!tpu.dma_semaphore, #tpu.memory_space<semaphore_mem>>) {add = true}
        %dma_wait3A_121 = arith.constant 0 : i32
        %dma_wait3A_122 = tpu.memref_slice %arg7[%add3A_63, %dma_wait3A_121] : memref<125x80xi32, #tpu.memory_space<vmem>> -> memref<1x80xi32, #tpu.memory_space<vmem>>
        %dma_wait3A_123 = tpu.memref_squeeze %dma_wait3A_122 : memref<1x80xi32, #tpu.memory_space<vmem>> -> memref<80xi32, #tpu.memory_space<vmem>>
        %dma_wait3A_124 = arith.constant 0 : i32
        %dma_wait3A_125 = arith.constant 0 : i32
        %dma_wait3A_126 = tpu.memref_slice %arg13[%dma_wait3A_124, %dma_wait3A_125] : memref<10016x16xf32, #tpu.memory_space<vmem_shared>> -> memref<10016x16xf32, #tpu.memory_space<vmem_shared>>
        tpu.wait_indirect_dma semaphore(%run_scoped3A_114 : memref<!tpu.dma_semaphore, #tpu.memory_space<semaphore_mem>>) src(%arg10 : memref<80x16xf32, #tpu.memory_space<vmem>>) dst(%dma_wait3A_126 : memref<10016x16xf32, #tpu.memory_space<vmem_shared>>)
        tpu.yield
      }) : () -> ()
      %add3A_71 = arith.constant 3 : i32
      %add3A_72 = arith.addi %add3A_63, %add3A_71 : i32
      %lt3A_73 = arith.constant 125 : i32
      %lt3A_74 = arith.cmpi slt, %add3A_72, %lt3A_73 : i32
      %convert_element_type3A_75 = arith.extui %lt3A_74 : i1 to i32
      %cond3A_76 = arith.constant 0 : i32
      %cond3A_77 = arith.cmpi ne, %convert_element_type3A_75, %cond3A_76 : i32
      scf.if %cond3A_77 {
        %add3A_114 = arith.constant 3 : i32
        %add3A_115 = arith.addi %add3A_63, %add3A_114 : i32
        %dma_start3A_116 = arith.constant 0 : i32
        %dma_start3A_117 = tpu.memref_slice %arg8[%add3A_115, %dma_start3A_116] : memref<125x80xi32, #tpu.memory_space<vmem>> -> memref<1x80xi32, #tpu.memory_space<vmem>>
        %dma_start3A_118 = tpu.memref_squeeze %dma_start3A_117 : memref<1x80xi32, #tpu.memory_space<vmem>> -> memref<80xi32, #tpu.memory_space<vmem>>
        %dma_start3A_119 = arith.constant 0 : i32
        %dma_start3A_120 = arith.constant 0 : i32
        %dma_start3A_121 = tpu.memref_slice %arg4[%dma_start3A_119, %dma_start3A_120] : memref<10000x16xf32, #tpu.memory_space<hbm>> -> memref<10000x16xf32, #tpu.memory_space<hbm>>
        tpu.enqueue_indirect_dma source(%dma_start3A_121 : memref<10000x16xf32, #tpu.memory_space<hbm>>) target(%arg9 : memref<80x16xf32, #tpu.memory_space<vmem>>) offsets(%dma_start3A_118 : memref<80xi32, #tpu.memory_space<vmem>>) semaphore(%arg14 : memref<!tpu.dma_semaphore, #tpu.memory_space<semaphore_mem>>)
      } else {
      }
      %mul3A_78 = arith.constant 4 : i32
      %mul3A_79 = arith.muli %mul3A_78, %scan3A_43 : i32
      %add3A_80 = arith.constant 2 : i32
      %add3A_81 = arith.addi %mul3A_79, %add3A_80 : i32
      %dma_wait3A_82 = arith.constant 0 : i32
      %dma_wait3A_83 = arith.constant 0 : i32
      %dma_wait3A_84 = tpu.memref_slice %arg8[%dma_wait3A_82, %dma_wait3A_83] : memref<125x80xi32, #tpu.memory_space<vmem>> -> memref<1x80xi32, #tpu.memory_space<vmem>>
      %dma_wait3A_85 = tpu.memref_squeeze %dma_wait3A_84 : memref<1x80xi32, #tpu.memory_space<vmem>> -> memref<80xi32, #tpu.memory_space<vmem>>
      %dma_wait3A_86 = arith.constant 0 : i32
      %dma_wait3A_87 = arith.constant 0 : i32
      %dma_wait3A_88 = tpu.memref_slice %arg4[%dma_wait3A_86, %dma_wait3A_87] : memref<10000x16xf32, #tpu.memory_space<hbm>> -> memref<10000x16xf32, #tpu.memory_space<hbm>>
      tpu.wait_indirect_dma semaphore(%arg16 : memref<!tpu.dma_semaphore, #tpu.memory_space<semaphore_mem>>) src(%dma_wait3A_88 : memref<10000x16xf32, #tpu.memory_space<hbm>>) dst(%arg11 : memref<80x16xf32, #tpu.memory_space<vmem>>)
      "tpu.region"() ({
        %run_scoped3A_114 = tpu.sem_alloc : memref<!tpu.dma_semaphore, #tpu.memory_space<semaphore_mem>>
        %dma_start3A_115 = arith.constant 0 : i32
        %dma_start3A_116 = tpu.memref_slice %arg7[%add3A_81, %dma_start3A_115] : memref<125x80xi32, #tpu.memory_space<vmem>> -> memref<1x80xi32, #tpu.memory_space<vmem>>
        %dma_start3A_117 = tpu.memref_squeeze %dma_start3A_116 : memref<1x80xi32, #tpu.memory_space<vmem>> -> memref<80xi32, #tpu.memory_space<vmem>>
        %dma_start3A_118 = arith.constant 0 : i32
        %dma_start3A_119 = arith.constant 0 : i32
        %dma_start3A_120 = tpu.memref_slice %arg13[%dma_start3A_118, %dma_start3A_119] : memref<10016x16xf32, #tpu.memory_space<vmem_shared>> -> memref<10016x16xf32, #tpu.memory_space<vmem_shared>>
        tpu.enqueue_indirect_dma source(%arg11 : memref<80x16xf32, #tpu.memory_space<vmem>>) target(%dma_start3A_120 : memref<10016x16xf32, #tpu.memory_space<vmem_shared>>) offsets(%dma_start3A_117 : memref<80xi32, #tpu.memory_space<vmem>>) semaphore(%run_scoped3A_114 : memref<!tpu.dma_semaphore, #tpu.memory_space<semaphore_mem>>) {add = true}
        %dma_wait3A_121 = arith.constant 0 : i32
        %dma_wait3A_122 = tpu.memref_slice %arg7[%add3A_81, %dma_wait3A_121] : memref<125x80xi32, #tpu.memory_space<vmem>> -> memref<1x80xi32, #tpu.memory_space<vmem>>
        %dma_wait3A_123 = tpu.memref_squeeze %dma_wait3A_122 : memref<1x80xi32, #tpu.memory_space<vmem>> -> memref<80xi32, #tpu.memory_space<vmem>>
        %dma_wait3A_124 = arith.constant 0 : i32
        %dma_wait3A_125 = arith.constant 0 : i32
        %dma_wait3A_126 = tpu.memref_slice %arg13[%dma_wait3A_124, %dma_wait3A_125] : memref<10016x16xf32, #tpu.memory_space<vmem_shared>> -> memref<10016x16xf32, #tpu.memory_space<vmem_shared>>
        tpu.wait_indirect_dma semaphore(%run_scoped3A_114 : memref<!tpu.dma_semaphore, #tpu.memory_space<semaphore_mem>>) src(%arg11 : memref<80x16xf32, #tpu.memory_space<vmem>>) dst(%dma_wait3A_126 : memref<10016x16xf32, #tpu.memory_space<vmem_shared>>)
        tpu.yield
      }) : () -> ()
      %add3A_89 = arith.constant 3 : i32
      %add3A_90 = arith.addi %add3A_81, %add3A_89 : i32
      %lt3A_91 = arith.constant 125 : i32
      %lt3A_92 = arith.cmpi slt, %add3A_90, %lt3A_91 : i32
      %convert_element_type3A_93 = arith.extui %lt3A_92 : i1 to i32
      %cond3A_94 = arith.constant 0 : i32
      %cond3A_95 = arith.cmpi ne, %convert_element_type3A_93, %cond3A_94 : i32
      scf.if %cond3A_95 {
        %add3A_114 = arith.constant 3 : i32
        %add3A_115 = arith.addi %add3A_81, %add3A_114 : i32
        %dma_start3A_116 = arith.constant 0 : i32
        %dma_start3A_117 = tpu.memref_slice %arg8[%add3A_115, %dma_start3A_116] : memref<125x80xi32, #tpu.memory_space<vmem>> -> memref<1x80xi32, #tpu.memory_space<vmem>>
        %dma_start3A_118 = tpu.memref_squeeze %dma_start3A_117 : memref<1x80xi32, #tpu.memory_space<vmem>> -> memref<80xi32, #tpu.memory_space<vmem>>
        %dma_start3A_119 = arith.constant 0 : i32
        %dma_start3A_120 = arith.constant 0 : i32
        %dma_start3A_121 = tpu.memref_slice %arg4[%dma_start3A_119, %dma_start3A_120] : memref<10000x16xf32, #tpu.memory_space<hbm>> -> memref<10000x16xf32, #tpu.memory_space<hbm>>
        tpu.enqueue_indirect_dma source(%dma_start3A_121 : memref<10000x16xf32, #tpu.memory_space<hbm>>) target(%arg10 : memref<80x16xf32, #tpu.memory_space<vmem>>) offsets(%dma_start3A_118 : memref<80xi32, #tpu.memory_space<vmem>>) semaphore(%arg15 : memref<!tpu.dma_semaphore, #tpu.memory_space<semaphore_mem>>)
      } else {
      }
      %mul3A_96 = arith.constant 4 : i32
      %mul3A_97 = arith.muli %mul3A_96, %scan3A_43 : i32
      %add3A_98 = arith.constant 3 : i32
      %add3A_99 = arith.addi %mul3A_97, %add3A_98 : i32
      %dma_wait3A_100 = arith.constant 0 : i32
      %dma_wait3A_101 = arith.constant 0 : i32
      %dma_wait3A_102 = tpu.memref_slice %arg8[%dma_wait3A_100, %dma_wait3A_101] : memref<125x80xi32, #tpu.memory_space<vmem>> -> memref<1x80xi32, #tpu.memory_space<vmem>>
      %dma_wait3A_103 = tpu.memref_squeeze %dma_wait3A_102 : memref<1x80xi32, #tpu.memory_space<vmem>> -> memref<80xi32, #tpu.memory_space<vmem>>
      %dma_wait3A_104 = arith.constant 0 : i32
      %dma_wait3A_105 = arith.constant 0 : i32
      %dma_wait3A_106 = tpu.memref_slice %arg4[%dma_wait3A_104, %dma_wait3A_105] : memref<10000x16xf32, #tpu.memory_space<hbm>> -> memref<10000x16xf32, #tpu.memory_space<hbm>>
      tpu.wait_indirect_dma semaphore(%arg17 : memref<!tpu.dma_semaphore, #tpu.memory_space<semaphore_mem>>) src(%dma_wait3A_106 : memref<10000x16xf32, #tpu.memory_space<hbm>>) dst(%arg12 : memref<80x16xf32, #tpu.memory_space<vmem>>)
      "tpu.region"() ({
        %run_scoped3A_114 = tpu.sem_alloc : memref<!tpu.dma_semaphore, #tpu.memory_space<semaphore_mem>>
        %dma_start3A_115 = arith.constant 0 : i32
        %dma_start3A_116 = tpu.memref_slice %arg7[%add3A_99, %dma_start3A_115] : memref<125x80xi32, #tpu.memory_space<vmem>> -> memref<1x80xi32, #tpu.memory_space<vmem>>
        %dma_start3A_117 = tpu.memref_squeeze %dma_start3A_116 : memref<1x80xi32, #tpu.memory_space<vmem>> -> memref<80xi32, #tpu.memory_space<vmem>>
        %dma_start3A_118 = arith.constant 0 : i32
        %dma_start3A_119 = arith.constant 0 : i32
        %dma_start3A_120 = tpu.memref_slice %arg13[%dma_start3A_118, %dma_start3A_119] : memref<10016x16xf32, #tpu.memory_space<vmem_shared>> -> memref<10016x16xf32, #tpu.memory_space<vmem_shared>>
        tpu.enqueue_indirect_dma source(%arg12 : memref<80x16xf32, #tpu.memory_space<vmem>>) target(%dma_start3A_120 : memref<10016x16xf32, #tpu.memory_space<vmem_shared>>) offsets(%dma_start3A_117 : memref<80xi32, #tpu.memory_space<vmem>>) semaphore(%run_scoped3A_114 : memref<!tpu.dma_semaphore, #tpu.memory_space<semaphore_mem>>) {add = true}
        %dma_wait3A_121 = arith.constant 0 : i32
        %dma_wait3A_122 = tpu.memref_slice %arg7[%add3A_99, %dma_wait3A_121] : memref<125x80xi32, #tpu.memory_space<vmem>> -> memref<1x80xi32, #tpu.memory_space<vmem>>
        %dma_wait3A_123 = tpu.memref_squeeze %dma_wait3A_122 : memref<1x80xi32, #tpu.memory_space<vmem>> -> memref<80xi32, #tpu.memory_space<vmem>>
        %dma_wait3A_124 = arith.constant 0 : i32
        %dma_wait3A_125 = arith.constant 0 : i32
        %dma_wait3A_126 = tpu.memref_slice %arg13[%dma_wait3A_124, %dma_wait3A_125] : memref<10016x16xf32, #tpu.memory_space<vmem_shared>> -> memref<10016x16xf32, #tpu.memory_space<vmem_shared>>
        tpu.wait_indirect_dma semaphore(%run_scoped3A_114 : memref<!tpu.dma_semaphore, #tpu.memory_space<semaphore_mem>>) src(%arg12 : memref<80x16xf32, #tpu.memory_space<vmem>>) dst(%dma_wait3A_126 : memref<10016x16xf32, #tpu.memory_space<vmem_shared>>)
        tpu.yield
      }) : () -> ()
      %add3A_107 = arith.constant 3 : i32
      %add3A_108 = arith.addi %add3A_99, %add3A_107 : i32
      %lt3A_109 = arith.constant 125 : i32
      %lt3A_110 = arith.cmpi slt, %add3A_108, %lt3A_109 : i32
      %convert_element_type3A_111 = arith.extui %lt3A_110 : i1 to i32
      %cond3A_112 = arith.constant 0 : i32
      %cond3A_113 = arith.cmpi ne, %convert_element_type3A_111, %cond3A_112 : i32
      scf.if %cond3A_113 {
        %add3A_114 = arith.constant 3 : i32
        %add3A_115 = arith.addi %add3A_99, %add3A_114 : i32
        %dma_start3A_116 = arith.constant 0 : i32
        %dma_start3A_117 = tpu.memref_slice %arg8[%add3A_115, %dma_start3A_116] : memref<125x80xi32, #tpu.memory_space<vmem>> -> memref<1x80xi32, #tpu.memory_space<vmem>>
        %dma_start3A_118 = tpu.memref_squeeze %dma_start3A_117 : memref<1x80xi32, #tpu.memory_space<vmem>> -> memref<80xi32, #tpu.memory_space<vmem>>
        %dma_start3A_119 = arith.constant 0 : i32
        %dma_start3A_120 = arith.constant 0 : i32
        %dma_start3A_121 = tpu.memref_slice %arg4[%dma_start3A_119, %dma_start3A_120] : memref<10000x16xf32, #tpu.memory_space<hbm>> -> memref<10000x16xf32, #tpu.memory_space<hbm>>
        tpu.enqueue_indirect_dma source(%dma_start3A_121 : memref<10000x16xf32, #tpu.memory_space<hbm>>) target(%arg11 : memref<80x16xf32, #tpu.memory_space<vmem>>) offsets(%dma_start3A_118 : memref<80xi32, #tpu.memory_space<vmem>>) semaphore(%arg16 : memref<!tpu.dma_semaphore, #tpu.memory_space<semaphore_mem>>)
      } else {
      }
    }
    %scan3A_26 = arith.constant 31 : i32
    %dma_wait3A = arith.constant 0 : i32
    %dma_wait3A_27 = arith.constant 0 : i32
    %dma_wait3A_28 = tpu.memref_slice %arg8[%dma_wait3A, %dma_wait3A_27] : memref<125x80xi32, #tpu.memory_space<vmem>> -> memref<1x80xi32, #tpu.memory_space<vmem>>
    %dma_wait3A_29 = tpu.memref_squeeze %dma_wait3A_28 : memref<1x80xi32, #tpu.memory_space<vmem>> -> memref<80xi32, #tpu.memory_space<vmem>>
    %dma_wait3A_30 = arith.constant 0 : i32
    %dma_wait3A_31 = arith.constant 0 : i32
    %dma_wait3A_32 = tpu.memref_slice %arg4[%dma_wait3A_30, %dma_wait3A_31] : memref<10000x16xf32, #tpu.memory_space<hbm>> -> memref<10000x16xf32, #tpu.memory_space<hbm>>
    tpu.wait_indirect_dma semaphore(%arg14 : memref<!tpu.dma_semaphore, #tpu.memory_space<semaphore_mem>>) src(%dma_wait3A_32 : memref<10000x16xf32, #tpu.memory_space<hbm>>) dst(%arg9 : memref<80x16xf32, #tpu.memory_space<vmem>>)
    %run_scoped3A = arith.constant 124 : i32
    "tpu.region"() ({
      %run_scoped3A_43 = tpu.sem_alloc : memref<!tpu.dma_semaphore, #tpu.memory_space<semaphore_mem>>
      %dma_start3A_44 = arith.constant 0 : i32
      %dma_start3A_45 = tpu.memref_slice %arg7[%run_scoped3A, %dma_start3A_44] : memref<125x80xi32, #tpu.memory_space<vmem>> -> memref<1x80xi32, #tpu.memory_space<vmem>>
      %dma_start3A_46 = tpu.memref_squeeze %dma_start3A_45 : memref<1x80xi32, #tpu.memory_space<vmem>> -> memref<80xi32, #tpu.memory_space<vmem>>
      %dma_start3A_47 = arith.constant 0 : i32
      %dma_start3A_48 = arith.constant 0 : i32
      %dma_start3A_49 = tpu.memref_slice %arg13[%dma_start3A_47, %dma_start3A_48] : memref<10016x16xf32, #tpu.memory_space<vmem_shared>> -> memref<10016x16xf32, #tpu.memory_space<vmem_shared>>
      tpu.enqueue_indirect_dma source(%arg9 : memref<80x16xf32, #tpu.memory_space<vmem>>) target(%dma_start3A_49 : memref<10016x16xf32, #tpu.memory_space<vmem_shared>>) offsets(%dma_start3A_46 : memref<80xi32, #tpu.memory_space<vmem>>) semaphore(%run_scoped3A_43 : memref<!tpu.dma_semaphore, #tpu.memory_space<semaphore_mem>>) {add = true}
      %dma_wait3A_50 = arith.constant 0 : i32
      %dma_wait3A_51 = tpu.memref_slice %arg7[%run_scoped3A, %dma_wait3A_50] : memref<125x80xi32, #tpu.memory_space<vmem>> -> memref<1x80xi32, #tpu.memory_space<vmem>>
      %dma_wait3A_52 = tpu.memref_squeeze %dma_wait3A_51 : memref<1x80xi32, #tpu.memory_space<vmem>> -> memref<80xi32, #tpu.memory_space<vmem>>
      %dma_wait3A_53 = arith.constant 0 : i32
      %dma_wait3A_54 = arith.constant 0 : i32
      %dma_wait3A_55 = tpu.memref_slice %arg13[%dma_wait3A_53, %dma_wait3A_54] : memref<10016x16xf32, #tpu.memory_space<vmem_shared>> -> memref<10016x16xf32, #tpu.memory_space<vmem_shared>>
      tpu.wait_indirect_dma semaphore(%run_scoped3A_43 : memref<!tpu.dma_semaphore, #tpu.memory_space<semaphore_mem>>) src(%arg9 : memref<80x16xf32, #tpu.memory_space<vmem>>) dst(%dma_wait3A_55 : memref<10016x16xf32, #tpu.memory_space<vmem_shared>>)
      tpu.yield
    }) : () -> ()
    %barrier3A_33 = arith.constant 0 : index
    tpu.barrier barrier_id(%barrier3A_33)
    %lt3A = arith.constant 15 : i32
    %lt3A_34 = arith.cmpi slt, %arg1, %lt3A : i32
    %convert_element_type3A_35 = arith.extui %lt3A_34 : i1 to i32
    %cond3A_36 = arith.constant 0 : i32
    %cond3A_37 = arith.cmpi ne, %convert_element_type3A_35, %cond3A_36 : i32
    scf.if %cond3A_37 {
      %mul3A = arith.constant 624 : i32
      %mul3A_43 = arith.muli %arg1, %mul3A : i32
      "tpu.region"() ({
        %run_scoped3A_44 = tpu.sem_alloc : memref<!tpu.dma_semaphore, #tpu.memory_space<semaphore_mem>>
        %dma_start3A_45 = arith.constant 0 : i32
        %dma_start3A_46 = arith.constant 0 : i32
        %dma_start3A_47 = tpu.memref_slice %arg6[%arg0, %dma_start3A_45, %dma_start3A_46] : memref<2x10000x16xf32, #tpu.memory_space<hbm>> -> memref<1x10000x16xf32, #tpu.memory_space<hbm>>
        %dma_start3A_48 = tpu.memref_squeeze %dma_start3A_47 : memref<1x10000x16xf32, #tpu.memory_space<hbm>> -> memref<10000x16xf32, #tpu.memory_space<hbm>>
        %dma_start3A_49 = arith.constant 0 : i32
        %dma_start3A_50 = tpu.memref_slice %dma_start3A_48[%mul3A_43, %dma_start3A_49] : memref<10000x16xf32, #tpu.memory_space<hbm>> -> memref<624x16xf32, #tpu.memory_space<hbm>>
        %dma_start3A_51 = arith.constant 0 : i32
        %dma_start3A_52 = tpu.memref_slice %arg13[%mul3A_43, %dma_start3A_51] : memref<10016x16xf32, #tpu.memory_space<vmem_shared>> -> memref<624x16xf32, #tpu.memory_space<vmem_shared>>
        tpu.enqueue_dma source(%dma_start3A_52 : memref<624x16xf32, #tpu.memory_space<vmem_shared>>) target(%dma_start3A_50 : memref<624x16xf32, #tpu.memory_space<hbm>>) target_semaphore(%run_scoped3A_44 : memref<!tpu.dma_semaphore, #tpu.memory_space<semaphore_mem>>)
        %dma_wait3A_53 = arith.constant 0 : i32
        %dma_wait3A_54 = arith.constant 0 : i32
        %dma_wait3A_55 = tpu.memref_slice %arg6[%arg0, %dma_wait3A_53, %dma_wait3A_54] : memref<2x10000x16xf32, #tpu.memory_space<hbm>> -> memref<1x10000x16xf32, #tpu.memory_space<hbm>>
        %dma_wait3A_56 = tpu.memref_squeeze %dma_wait3A_55 : memref<1x10000x16xf32, #tpu.memory_space<hbm>> -> memref<10000x16xf32, #tpu.memory_space<hbm>>
        %dma_wait3A_57 = arith.constant 0 : i32
        %dma_wait3A_58 = tpu.memref_slice %dma_wait3A_56[%mul3A_43, %dma_wait3A_57] : memref<10000x16xf32, #tpu.memory_space<hbm>> -> memref<624x16xf32, #tpu.memory_space<hbm>>
        %dma_wait3A_59 = arith.constant 0 : i32
        %dma_wait3A_60 = tpu.memref_slice %arg13[%mul3A_43, %dma_wait3A_59] : memref<10016x16xf32, #tpu.memory_space<vmem_shared>> -> memref<624x16xf32, #tpu.memory_space<vmem_shared>>
        tpu.wait_dma2 semaphore(%run_scoped3A_44 : memref<!tpu.dma_semaphore, #tpu.memory_space<semaphore_mem>>) src(%dma_wait3A_60 : memref<624x16xf32, #tpu.memory_space<vmem_shared>>) dst(%dma_wait3A_58 : memref<624x16xf32, #tpu.memory_space<hbm>>)
        tpu.yield
      }) : () -> ()
    } else {
    }
    %eq3A_38 = arith.constant 15 : i32
    %eq3A_39 = arith.cmpi eq, %arg1, %eq3A_38 : i32
    %convert_element_type3A_40 = arith.extui %eq3A_39 : i1 to i32
    %cond3A_41 = arith.constant 0 : i32
    %cond3A_42 = arith.cmpi ne, %convert_element_type3A_40, %cond3A_41 : i32
    scf.if %cond3A_42 {
      "tpu.region"() ({
        %run_scoped3A_43 = tpu.sem_alloc : memref<!tpu.dma_semaphore, #tpu.memory_space<semaphore_mem>>
        %dma_start3A_44 = arith.constant 0 : i32
        %dma_start3A_45 = arith.constant 0 : i32
        %dma_start3A_46 = tpu.memref_slice %arg6[%arg0, %dma_start3A_44, %dma_start3A_45] : memref<2x10000x16xf32, #tpu.memory_space<hbm>> -> memref<1x10000x16xf32, #tpu.memory_space<hbm>>
        %dma_start3A_47 = tpu.memref_squeeze %dma_start3A_46 : memref<1x10000x16xf32, #tpu.memory_space<hbm>> -> memref<10000x16xf32, #tpu.memory_space<hbm>>
        %dma_start3A_48 = arith.constant 9360 : i32
        %dma_start3A_49 = arith.constant 0 : i32
        %dma_start3A_50 = tpu.memref_slice %dma_start3A_47[%dma_start3A_48, %dma_start3A_49] : memref<10000x16xf32, #tpu.memory_space<hbm>> -> memref<640x16xf32, #tpu.memory_space<hbm>>
        %dma_start3A_51 = arith.constant 9360 : i32
        %dma_start3A_52 = arith.constant 0 : i32
        %dma_start3A_53 = tpu.memref_slice %arg13[%dma_start3A_51, %dma_start3A_52] : memref<10016x16xf32, #tpu.memory_space<vmem_shared>> -> memref<640x16xf32, #tpu.memory_space<vmem_shared>>
        tpu.enqueue_dma source(%dma_start3A_53 : memref<640x16xf32, #tpu.memory_space<vmem_shared>>) target(%dma_start3A_50 : memref<640x16xf32, #tpu.memory_space<hbm>>) target_semaphore(%run_scoped3A_43 : memref<!tpu.dma_semaphore, #tpu.memory_space<semaphore_mem>>)
        %dma_wait3A_54 = arith.constant 0 : i32
        %dma_wait3A_55 = arith.constant 0 : i32
        %dma_wait3A_56 = tpu.memref_slice %arg6[%arg0, %dma_wait3A_54, %dma_wait3A_55] : memref<2x10000x16xf32, #tpu.memory_space<hbm>> -> memref<1x10000x16xf32, #tpu.memory_space<hbm>>
        %dma_wait3A_57 = tpu.memref_squeeze %dma_wait3A_56 : memref<1x10000x16xf32, #tpu.memory_space<hbm>> -> memref<10000x16xf32, #tpu.memory_space<hbm>>
        %dma_wait3A_58 = arith.constant 9360 : i32
        %dma_wait3A_59 = arith.constant 0 : i32
        %dma_wait3A_60 = tpu.memref_slice %dma_wait3A_57[%dma_wait3A_58, %dma_wait3A_59] : memref<10000x16xf32, #tpu.memory_space<hbm>> -> memref<640x16xf32, #tpu.memory_space<hbm>>
        %dma_wait3A_61 = arith.constant 9360 : i32
        %dma_wait3A_62 = arith.constant 0 : i32
        %dma_wait3A_63 = tpu.memref_slice %arg13[%dma_wait3A_61, %dma_wait3A_62] : memref<10016x16xf32, #tpu.memory_space<vmem_shared>> -> memref<640x16xf32, #tpu.memory_space<vmem_shared>>
        tpu.wait_dma2 semaphore(%run_scoped3A_43 : memref<!tpu.dma_semaphore, #tpu.memory_space<semaphore_mem>>) src(%dma_wait3A_63 : memref<640x16xf32, #tpu.memory_space<vmem_shared>>) dst(%dma_wait3A_60 : memref<640x16xf32, #tpu.memory_space<hbm>>)
        tpu.yield
      }) : () -> ()
    } else {
    }
    return
  }
}

#map = affine_map<(d0, d1) -> (0, 0, 0, 0)>
#map1 = affine_map<(d0, d1) -> (0, 0)>
#map2 = affine_map<(d0, d1) -> (0, 0, 0)>
module attributes {stable_mosaic.version = 14 : i64} {
  func.func @_sc_gather_scatter(%arg0: i32, %arg1: i32, %arg2: memref<2x16x125x80xi32, #tpu.memory_space<hbm>>, %arg3: memref<2x16x125x80xi32, #tpu.memory_space<hbm>>, %arg4: memref<10000x16xf32, #tpu.memory_space<hbm>>, %arg5: memref<10016x16xf32, #tpu.memory_space<hbm>>, %arg6: memref<2x10000x16xf32, #tpu.memory_space<hbm>>, %arg7: memref<125x80xi32, #tpu.memory_space<vmem>>, %arg8: memref<125x80xi32, #tpu.memory_space<vmem>>, %arg9: memref<80x16xf32, #tpu.memory_space<vmem>>, %arg10: memref<80x16xf32, #tpu.memory_space<vmem>>, %arg11: memref<80x16xf32, #tpu.memory_space<vmem>>, %arg12: memref<80x16xf32, #tpu.memory_space<vmem>>, %arg13: memref<10016x16xf32, #tpu.memory_space<vmem_shared>>, %arg14: memref<!tpu.dma_semaphore, #tpu.memory_space<semaphore_mem>>, %arg15: memref<!tpu.dma_semaphore, #tpu.memory_space<semaphore_mem>>, %arg16: memref<!tpu.dma_semaphore, #tpu.memory_space<semaphore_mem>>, %arg17: memref<!tpu.dma_semaphore, #tpu.memory_space<semaphore_mem>>) attributes {dimension_semantics = [#tpu.dimension_semantics<core_parallel>, #tpu.dimension_semantics<subcore_parallel>], iteration_bounds = array<i64: 2, 16>, scalar_prefetch = 0 : i64, scratch_operands = 11 : i64, tpu.core_type = #tpu.core_type<sc_vector_subcore>, window_params = [{transform_indices = #map}, {transform_indices = #map}, {transform_indices = #map1}, {transform_indices = #map1}, {transform_indices = #map2}]} {
    %eq3A = arith.constant 0 : i32
    %eq3A_0 = arith.cmpi eq, %arg1, %eq3A : i32
    %convert_element_type3A = arith.extui %eq3A_0 : i1 to i32
    %cond3A = arith.constant 0 : i32
    %cond3A_1 = arith.cmpi ne, %convert_element_type3A, %cond3A : i32
    scf.if %cond3A_1 {
      "tpu.region"() ({
        %run_scoped3A_43 = tpu.sem_alloc : memref<!tpu.dma_semaphore, #tpu.memory_space<semaphore_mem>>
        tpu.enqueue_dma source(%arg5 : memref<10016x16xf32, #tpu.memory_space<hbm>>) target(%arg13 : memref<10016x16xf32, #tpu.memory_space<vmem_shared>>) target_semaphore(%run_scoped3A_43 : memref<!tpu.dma_semaphore, #tpu.memory_space<semaphore_mem>>)
        tpu.wait_dma2 semaphore(%run_scoped3A_43 : memref<!tpu.dma_semaphore, #tpu.memory_space<semaphore_mem>>) src(%arg5 : memref<10016x16xf32, #tpu.memory_space<hbm>>) dst(%arg13 : memref<10016x16xf32, #tpu.memory_space<vmem_shared>>)
        tpu.yield
      }) : () -> ()
    } else {
    }
    "tpu.region"() ({
      %run_scoped3A_43 = tpu.sem_alloc : memref<!tpu.dma_semaphore, #tpu.memory_space<semaphore_mem>>
      %dma_start3A_44 = arith.constant 0 : i32
      %dma_start3A_45 = arith.constant 0 : i32
      %dma_start3A_46 = tpu.memref_slice %arg2[%arg0, %arg1, %dma_start3A_44, %dma_start3A_45] : memref<2x16x125x80xi32, #tpu.memory_space<hbm>> -> memref<1x1x125x80xi32, #tpu.memory_space<hbm>>
      %dma_start3A_47 = tpu.memref_squeeze %dma_start3A_46 : memref<1x1x125x80xi32, #tpu.memory_space<hbm>> -> memref<125x80xi32, #tpu.memory_space<hbm>>
      %dma_start3A_48 = arith.constant 0 : i32
      %dma_start3A_49 = arith.constant 0 : i32
      %dma_start3A_50 = tpu.memref_slice %arg2[%arg0, %arg1, %dma_start3A_48, %dma_start3A_49] : memref<2x16x125x80xi32, #tpu.memory_space<hbm>> -> memref<1x1x125x80xi32, #tpu.memory_space<hbm>>
      %dma_start3A_51 = tpu.memref_squeeze %dma_start3A_50 : memref<1x1x125x80xi32, #tpu.memory_space<hbm>> -> memref<125x80xi32, #tpu.memory_space<hbm>>
      tpu.enqueue_dma source(%dma_start3A_51 : memref<125x80xi32, #tpu.memory_space<hbm>>) target(%arg7 : memref<125x80xi32, #tpu.memory_space<vmem>>) target_semaphore(%run_scoped3A_43 : memref<!tpu.dma_semaphore, #tpu.memory_space<semaphore_mem>>)
      %dma_wait3A_52 = arith.constant 0 : i32
      %dma_wait3A_53 = arith.constant 0 : i32
      %dma_wait3A_54 = tpu.memref_slice %arg2[%arg0, %arg1, %dma_wait3A_52, %dma_wait3A_53] : memref<2x16x125x80xi32, #tpu.memory_space<hbm>> -> memref<1x1x125x80xi32, #tpu.memory_space<hbm>>
      %dma_wait3A_55 = tpu.memref_squeeze %dma_wait3A_54 : memref<1x1x125x80xi32, #tpu.memory_space<hbm>> -> memref<125x80xi32, #tpu.memory_space<hbm>>
      %dma_wait3A_56 = arith.constant 0 : i32
      %dma_wait3A_57 = arith.constant 0 : i32
      %dma_wait3A_58 = tpu.memref_slice %arg2[%arg0, %arg1, %dma_wait3A_56, %dma_wait3A_57] : memref<2x16x125x80xi32, #tpu.memory_space<hbm>> -> memref<1x1x125x80xi32, #tpu.memory_space<hbm>>
      %dma_wait3A_59 = tpu.memref_squeeze %dma_wait3A_58 : memref<1x1x125x80xi32, #tpu.memory_space<hbm>> -> memref<125x80xi32, #tpu.memory_space<hbm>>
      tpu.wait_dma2 semaphore(%run_scoped3A_43 : memref<!tpu.dma_semaphore, #tpu.memory_space<semaphore_mem>>) src(%dma_wait3A_59 : memref<125x80xi32, #tpu.memory_space<hbm>>) dst(%arg7 : memref<125x80xi32, #tpu.memory_space<vmem>>)
      tpu.yield
    }) : () -> ()
    "tpu.region"() ({
      %run_scoped3A_43 = tpu.sem_alloc : memref<!tpu.dma_semaphore, #tpu.memory_space<semaphore_mem>>
      %dma_start3A_44 = arith.constant 0 : i32
      %dma_start3A_45 = arith.constant 0 : i32
      %dma_start3A_46 = tpu.memref_slice %arg3[%arg0, %arg1, %dma_start3A_44, %dma_start3A_45] : memref<2x16x125x80xi32, #tpu.memory_space<hbm>> -> memref<1x1x125x80xi32, #tpu.memory_space<hbm>>
      %dma_start3A_47 = tpu.memref_squeeze %dma_start3A_46 : memref<1x1x125x80xi32, #tpu.memory_space<hbm>> -> memref<125x80xi32, #tpu.memory_space<hbm>>
      %dma_start3A_48 = arith.constant 0 : i32
      %dma_start3A_49 = arith.constant 0 : i32
      %dma_start3A_50 = tpu.memref_slice %arg3[%arg0, %arg1, %dma_start3A_48, %dma_start3A_49] : memref<2x16x125x80xi32, #tpu.memory_space<hbm>> -> memref<1x1x125x80xi32, #tpu.memory_space<hbm>>
      %dma_start3A_51 = tpu.memref_squeeze %dma_start3A_50 : memref<1x1x125x80xi32, #tpu.memory_space<hbm>> -> memref<125x80xi32, #tpu.memory_space<hbm>>
      tpu.enqueue_dma source(%dma_start3A_51 : memref<125x80xi32, #tpu.memory_space<hbm>>) target(%arg8 : memref<125x80xi32, #tpu.memory_space<vmem>>) target_semaphore(%run_scoped3A_43 : memref<!tpu.dma_semaphore, #tpu.memory_space<semaphore_mem>>)
      %dma_wait3A_52 = arith.constant 0 : i32
      %dma_wait3A_53 = arith.constant 0 : i32
      %dma_wait3A_54 = tpu.memref_slice %arg3[%arg0, %arg1, %dma_wait3A_52, %dma_wait3A_53] : memref<2x16x125x80xi32, #tpu.memory_space<hbm>> -> memref<1x1x125x80xi32, #tpu.memory_space<hbm>>
      %dma_wait3A_55 = tpu.memref_squeeze %dma_wait3A_54 : memref<1x1x125x80xi32, #tpu.memory_space<hbm>> -> memref<125x80xi32, #tpu.memory_space<hbm>>
      %dma_wait3A_56 = arith.constant 0 : i32
      %dma_wait3A_57 = arith.constant 0 : i32
      %dma_wait3A_58 = tpu.memref_slice %arg3[%arg0, %arg1, %dma_wait3A_56, %dma_wait3A_57] : memref<2x16x125x80xi32, #tpu.memory_space<hbm>> -> memref<1x1x125x80xi32, #tpu.memory_space<hbm>>
      %dma_wait3A_59 = tpu.memref_squeeze %dma_wait3A_58 : memref<1x1x125x80xi32, #tpu.memory_space<hbm>> -> memref<125x80xi32, #tpu.memory_space<hbm>>
      tpu.wait_dma2 semaphore(%run_scoped3A_43 : memref<!tpu.dma_semaphore, #tpu.memory_space<semaphore_mem>>) src(%dma_wait3A_59 : memref<125x80xi32, #tpu.memory_space<hbm>>) dst(%arg8 : memref<125x80xi32, #tpu.memory_space<vmem>>)
      tpu.yield
    }) : () -> ()
    %barrier3A = arith.constant 0 : index
    tpu.barrier barrier_id(%barrier3A)
    %dma_start3A = arith.constant 0 : i32
    %dma_start3A_2 = arith.constant 0 : i32
    %dma_start3A_3 = tpu.memref_slice %arg8[%dma_start3A, %dma_start3A_2] : memref<125x80xi32, #tpu.memory_space<vmem>> -> memref<1x80xi32, #tpu.memory_space<vmem>>
    %dma_start3A_4 = tpu.memref_squeeze %dma_start3A_3 : memref<1x80xi32, #tpu.memory_space<vmem>> -> memref<80xi32, #tpu.memory_space<vmem>>
    %dma_start3A_5 = arith.constant 0 : i32
    %dma_start3A_6 = arith.constant 0 : i32
    %dma_start3A_7 = tpu.memref_slice %arg4[%dma_start3A_5, %dma_start3A_6] : memref<10000x16xf32, #tpu.memory_space<hbm>> -> memref<10000x16xf32, #tpu.memory_space<hbm>>
    tpu.enqueue_indirect_dma source(%dma_start3A_7 : memref<10000x16xf32, #tpu.memory_space<hbm>>) target(%arg9 : memref<80x16xf32, #tpu.memory_space<vmem>>) offsets(%dma_start3A_4 : memref<80xi32, #tpu.memory_space<vmem>>) semaphore(%arg14 : memref<!tpu.dma_semaphore, #tpu.memory_space<semaphore_mem>>)
    %dma_start3A_8 = arith.constant 1 : i32
    %dma_start3A_9 = arith.constant 0 : i32
    %dma_start3A_10 = tpu.memref_slice %arg8[%dma_start3A_8, %dma_start3A_9] : memref<125x80xi32, #tpu.memory_space<vmem>> -> memref<1x80xi32, #tpu.memory_space<vmem>>
    %dma_start3A_11 = tpu.memref_squeeze %dma_start3A_10 : memref<1x80xi32, #tpu.memory_space<vmem>> -> memref<80xi32, #tpu.memory_space<vmem>>
    %dma_start3A_12 = arith.constant 0 : i32
    %dma_start3A_13 = arith.constant 0 : i32
    %dma_start3A_14 = tpu.memref_slice %arg4[%dma_start3A_12, %dma_start3A_13] : memref<10000x16xf32, #tpu.memory_space<hbm>> -> memref<10000x16xf32, #tpu.memory_space<hbm>>
    tpu.enqueue_indirect_dma source(%dma_start3A_14 : memref<10000x16xf32, #tpu.memory_space<hbm>>) target(%arg10 : memref<80x16xf32, #tpu.memory_space<vmem>>) offsets(%dma_start3A_11 : memref<80xi32, #tpu.memory_space<vmem>>) semaphore(%arg15 : memref<!tpu.dma_semaphore, #tpu.memory_space<semaphore_mem>>)
    %dma_start3A_15 = arith.constant 2 : i32
    %dma_start3A_16 = arith.constant 0 : i32
    %dma_start3A_17 = tpu.memref_slice %arg8[%dma_start3A_15, %dma_start3A_16] : memref<125x80xi32, #tpu.memory_space<vmem>> -> memref<1x80xi32, #tpu.memory_space<vmem>>
    %dma_start3A_18 = tpu.memref_squeeze %dma_start3A_17 : memref<1x80xi32, #tpu.memory_space<vmem>> -> memref<80xi32, #tpu.memory_space<vmem>>
    %dma_start3A_19 = arith.constant 0 : i32
    %dma_start3A_20 = arith.constant 0 : i32
    %dma_start3A_21 = tpu.memref_slice %arg4[%dma_start3A_19, %dma_start3A_20] : memref<10000x16xf32, #tpu.memory_space<hbm>> -> memref<10000x16xf32, #tpu.memory_space<hbm>>
    tpu.enqueue_indirect_dma source(%dma_start3A_21 : memref<10000x16xf32, #tpu.memory_space<hbm>>) target(%arg11 : memref<80x16xf32, #tpu.memory_space<vmem>>) offsets(%dma_start3A_18 : memref<80xi32, #tpu.memory_space<vmem>>) semaphore(%arg16 : memref<!tpu.dma_semaphore, #tpu.memory_space<semaphore_mem>>)
    %scan3A = arith.constant 0 : i32
    %scan3A_22 = arith.constant 0 : i32
    %scan3A_23 = arith.constant 31 : i32
    %scan3A_24 = arith.addi %scan3A_22, %scan3A_23 : i32
    %scan3A_25 = arith.constant 1 : i32
    scf.for %scan3A_43 = %scan3A_22 to %scan3A_24 step %scan3A_25  : i32 {
      %mul3A = arith.constant 4 : i32
      %mul3A_44 = arith.muli %mul3A, %scan3A_43 : i32
      %add3A = arith.constant 0 : i32
      %add3A_45 = arith.addi %mul3A_44, %add3A : i32
      %dma_wait3A_46 = arith.constant 0 : i32
      %dma_wait3A_47 = arith.constant 0 : i32
      %dma_wait3A_48 = tpu.memref_slice %arg8[%dma_wait3A_46, %dma_wait3A_47] : memref<125x80xi32, #tpu.memory_space<vmem>> -> memref<1x80xi32, #tpu.memory_space<vmem>>
      %dma_wait3A_49 = tpu.memref_squeeze %dma_wait3A_48 : memref<1x80xi32, #tpu.memory_space<vmem>> -> memref<80xi32, #tpu.memory_space<vmem>>
      %dma_wait3A_50 = arith.constant 0 : i32
      %dma_wait3A_51 = arith.constant 0 : i32
      %dma_wait3A_52 = tpu.memref_slice %arg4[%dma_wait3A_50, %dma_wait3A_51] : memref<10000x16xf32, #tpu.memory_space<hbm>> -> memref<10000x16xf32, #tpu.memory_space<hbm>>
      tpu.wait_indirect_dma semaphore(%arg14 : memref<!tpu.dma_semaphore, #tpu.memory_space<semaphore_mem>>) src(%dma_wait3A_52 : memref<10000x16xf32, #tpu.memory_space<hbm>>) dst(%arg9 : memref<80x16xf32, #tpu.memory_space<vmem>>)
      "tpu.region"() ({
        %run_scoped3A_114 = tpu.sem_alloc : memref<!tpu.dma_semaphore, #tpu.memory_space<semaphore_mem>>
        %dma_start3A_115 = arith.constant 0 : i32
        %dma_start3A_116 = tpu.memref_slice %arg7[%add3A_45, %dma_start3A_115] : memref<125x80xi32, #tpu.memory_space<vmem>> -> memref<1x80xi32, #tpu.memory_space<vmem>>
        %dma_start3A_117 = tpu.memref_squeeze %dma_start3A_116 : memref<1x80xi32, #tpu.memory_space<vmem>> -> memref<80xi32, #tpu.memory_space<vmem>>
        %dma_start3A_118 = arith.constant 0 : i32
        %dma_start3A_119 = arith.constant 0 : i32
        %dma_start3A_120 = tpu.memref_slice %arg13[%dma_start3A_118, %dma_start3A_119] : memref<10016x16xf32, #tpu.memory_space<vmem_shared>> -> memref<10016x16xf32, #tpu.memory_space<vmem_shared>>
        tpu.enqueue_indirect_dma source(%arg9 : memref<80x16xf32, #tpu.memory_space<vmem>>) target(%dma_start3A_120 : memref<10016x16xf32, #tpu.memory_space<vmem_shared>>) offsets(%dma_start3A_117 : memref<80xi32, #tpu.memory_space<vmem>>) semaphore(%run_scoped3A_114 : memref<!tpu.dma_semaphore, #tpu.memory_space<semaphore_mem>>) {add = true}
        %dma_wait3A_121 = arith.constant 0 : i32
        %dma_wait3A_122 = tpu.memref_slice %arg7[%add3A_45, %dma_wait3A_121] : memref<125x80xi32, #tpu.memory_space<vmem>> -> memref<1x80xi32, #tpu.memory_space<vmem>>
        %dma_wait3A_123 = tpu.memref_squeeze %dma_wait3A_122 : memref<1x80xi32, #tpu.memory_space<vmem>> -> memref<80xi32, #tpu.memory_space<vmem>>
        %dma_wait3A_124 = arith.constant 0 : i32
        %dma_wait3A_125 = arith.constant 0 : i32
        %dma_wait3A_126 = tpu.memref_slice %arg13[%dma_wait3A_124, %dma_wait3A_125] : memref<10016x16xf32, #tpu.memory_space<vmem_shared>> -> memref<10016x16xf32, #tpu.memory_space<vmem_shared>>
        tpu.wait_indirect_dma semaphore(%run_scoped3A_114 : memref<!tpu.dma_semaphore, #tpu.memory_space<semaphore_mem>>) src(%arg9 : memref<80x16xf32, #tpu.memory_space<vmem>>) dst(%dma_wait3A_126 : memref<10016x16xf32, #tpu.memory_space<vmem_shared>>)
        tpu.yield
      }) : () -> ()
      %add3A_53 = arith.constant 3 : i32
      %add3A_54 = arith.addi %add3A_45, %add3A_53 : i32
      %lt3A_55 = arith.constant 125 : i32
      %lt3A_56 = arith.cmpi slt, %add3A_54, %lt3A_55 : i32
      %convert_element_type3A_57 = arith.extui %lt3A_56 : i1 to i32
      %cond3A_58 = arith.constant 0 : i32
      %cond3A_59 = arith.cmpi ne, %convert_element_type3A_57, %cond3A_58 : i32
      scf.if %cond3A_59 {
        %add3A_114 = arith.constant 3 : i32
        %add3A_115 = arith.addi %add3A_45, %add3A_114 : i32
        %dma_start3A_116 = arith.constant 0 : i32
        %dma_start3A_117 = tpu.memref_slice %arg8[%add3A_115, %dma_start3A_116] : memref<125x80xi32, #tpu.memory_space<vmem>> -> memref<1x80xi32, #tpu.memory_space<vmem>>
        %dma_start3A_118 = tpu.memref_squeeze %dma_start3A_117 : memref<1x80xi32, #tpu.memory_space<vmem>> -> memref<80xi32, #tpu.memory_space<vmem>>
        %dma_start3A_119 = arith.constant 0 : i32
        %dma_start3A_120 = arith.constant 0 : i32
        %dma_start3A_121 = tpu.memref_slice %arg4[%dma_start3A_119, %dma_start3A_120] : memref<10000x16xf32, #tpu.memory_space<hbm>> -> memref<10000x16xf32, #tpu.memory_space<hbm>>
        tpu.enqueue_indirect_dma source(%dma_start3A_121 : memref<10000x16xf32, #tpu.memory_space<hbm>>) target(%arg12 : memref<80x16xf32, #tpu.memory_space<vmem>>) offsets(%dma_start3A_118 : memref<80xi32, #tpu.memory_space<vmem>>) semaphore(%arg17 : memref<!tpu.dma_semaphore, #tpu.memory_space<semaphore_mem>>)
      } else {
      }
      %mul3A_60 = arith.constant 4 : i32
      %mul3A_61 = arith.muli %mul3A_60, %scan3A_43 : i32
      %add3A_62 = arith.constant 1 : i32
      %add3A_63 = arith.addi %mul3A_61, %add3A_62 : i32
      %dma_wait3A_64 = arith.constant 0 : i32
      %dma_wait3A_65 = arith.constant 0 : i32
      %dma_wait3A_66 = tpu.memref_slice %arg8[%dma_wait3A_64, %dma_wait3A_65] : memref<125x80xi32, #tpu.memory_space<vmem>> -> memref<1x80xi32, #tpu.memory_space<vmem>>
      %dma_wait3A_67 = tpu.memref_squeeze %dma_wait3A_66 : memref<1x80xi32, #tpu.memory_space<vmem>> -> memref<80xi32, #tpu.memory_space<vmem>>
      %dma_wait3A_68 = arith.constant 0 : i32
      %dma_wait3A_69 = arith.constant 0 : i32
      %dma_wait3A_70 = tpu.memref_slice %arg4[%dma_wait3A_68, %dma_wait3A_69] : memref<10000x16xf32, #tpu.memory_space<hbm>> -> memref<10000x16xf32, #tpu.memory_space<hbm>>
      tpu.wait_indirect_dma semaphore(%arg15 : memref<!tpu.dma_semaphore, #tpu.memory_space<semaphore_mem>>) src(%dma_wait3A_70 : memref<10000x16xf32, #tpu.memory_space<hbm>>) dst(%arg10 : memref<80x16xf32, #tpu.memory_space<vmem>>)
      "tpu.region"() ({
        %run_scoped3A_114 = tpu.sem_alloc : memref<!tpu.dma_semaphore, #tpu.memory_space<semaphore_mem>>
        %dma_start3A_115 = arith.constant 0 : i32
        %dma_start3A_116 = tpu.memref_slice %arg7[%add3A_63, %dma_start3A_115] : memref<125x80xi32, #tpu.memory_space<vmem>> -> memref<1x80xi32, #tpu.memory_space<vmem>>
        %dma_start3A_117 = tpu.memref_squeeze %dma_start3A_116 : memref<1x80xi32, #tpu.memory_space<vmem>> -> memref<80xi32, #tpu.memory_space<vmem>>
        %dma_start3A_118 = arith.constant 0 : i32
        %dma_start3A_119 = arith.constant 0 : i32
        %dma_start3A_120 = tpu.memref_slice %arg13[%dma_start3A_118, %dma_start3A_119] : memref<10016x16xf32, #tpu.memory_space<vmem_shared>> -> memref<10016x16xf32, #tpu.memory_space<vmem_shared>>
        tpu.enqueue_indirect_dma source(%arg10 : memref<80x16xf32, #tpu.memory_space<vmem>>) target(%dma_start3A_120 : memref<10016x16xf32, #tpu.memory_space<vmem_shared>>) offsets(%dma_start3A_117 : memref<80xi32, #tpu.memory_space<vmem>>) semaphore(%run_scoped3A_114 : memref<!tpu.dma_semaphore, #tpu.memory_space<semaphore_mem>>) {add = true}
        %dma_wait3A_121 = arith.constant 0 : i32
        %dma_wait3A_122 = tpu.memref_slice %arg7[%add3A_63, %dma_wait3A_121] : memref<125x80xi32, #tpu.memory_space<vmem>> -> memref<1x80xi32, #tpu.memory_space<vmem>>
        %dma_wait3A_123 = tpu.memref_squeeze %dma_wait3A_122 : memref<1x80xi32, #tpu.memory_space<vmem>> -> memref<80xi32, #tpu.memory_space<vmem>>
        %dma_wait3A_124 = arith.constant 0 : i32
        %dma_wait3A_125 = arith.constant 0 : i32
        %dma_wait3A_126 = tpu.memref_slice %arg13[%dma_wait3A_124, %dma_wait3A_125] : memref<10016x16xf32, #tpu.memory_space<vmem_shared>> -> memref<10016x16xf32, #tpu.memory_space<vmem_shared>>
        tpu.wait_indirect_dma semaphore(%run_scoped3A_114 : memref<!tpu.dma_semaphore, #tpu.memory_space<semaphore_mem>>) src(%arg10 : memref<80x16xf32, #tpu.memory_space<vmem>>) dst(%dma_wait3A_126 : memref<10016x16xf32, #tpu.memory_space<vmem_shared>>)
        tpu.yield
      }) : () -> ()
      %add3A_71 = arith.constant 3 : i32
      %add3A_72 = arith.addi %add3A_63, %add3A_71 : i32
      %lt3A_73 = arith.constant 125 : i32
      %lt3A_74 = arith.cmpi slt, %add3A_72, %lt3A_73 : i32
      %convert_element_type3A_75 = arith.extui %lt3A_74 : i1 to i32
      %cond3A_76 = arith.constant 0 : i32
      %cond3A_77 = arith.cmpi ne, %convert_element_type3A_75, %cond3A_76 : i32
      scf.if %cond3A_77 {
        %add3A_114 = arith.constant 3 : i32
        %add3A_115 = arith.addi %add3A_63, %add3A_114 : i32
        %dma_start3A_116 = arith.constant 0 : i32
        %dma_start3A_117 = tpu.memref_slice %arg8[%add3A_115, %dma_start3A_116] : memref<125x80xi32, #tpu.memory_space<vmem>> -> memref<1x80xi32, #tpu.memory_space<vmem>>
        %dma_start3A_118 = tpu.memref_squeeze %dma_start3A_117 : memref<1x80xi32, #tpu.memory_space<vmem>> -> memref<80xi32, #tpu.memory_space<vmem>>
        %dma_start3A_119 = arith.constant 0 : i32
        %dma_start3A_120 = arith.constant 0 : i32
        %dma_start3A_121 = tpu.memref_slice %arg4[%dma_start3A_119, %dma_start3A_120] : memref<10000x16xf32, #tpu.memory_space<hbm>> -> memref<10000x16xf32, #tpu.memory_space<hbm>>
        tpu.enqueue_indirect_dma source(%dma_start3A_121 : memref<10000x16xf32, #tpu.memory_space<hbm>>) target(%arg9 : memref<80x16xf32, #tpu.memory_space<vmem>>) offsets(%dma_start3A_118 : memref<80xi32, #tpu.memory_space<vmem>>) semaphore(%arg14 : memref<!tpu.dma_semaphore, #tpu.memory_space<semaphore_mem>>)
      } else {
      }
      %mul3A_78 = arith.constant 4 : i32
      %mul3A_79 = arith.muli %mul3A_78, %scan3A_43 : i32
      %add3A_80 = arith.constant 2 : i32
      %add3A_81 = arith.addi %mul3A_79, %add3A_80 : i32
      %dma_wait3A_82 = arith.constant 0 : i32
      %dma_wait3A_83 = arith.constant 0 : i32
      %dma_wait3A_84 = tpu.memref_slice %arg8[%dma_wait3A_82, %dma_wait3A_83] : memref<125x80xi32, #tpu.memory_space<vmem>> -> memref<1x80xi32, #tpu.memory_space<vmem>>
      %dma_wait3A_85 = tpu.memref_squeeze %dma_wait3A_84 : memref<1x80xi32, #tpu.memory_space<vmem>> -> memref<80xi32, #tpu.memory_space<vmem>>
      %dma_wait3A_86 = arith.constant 0 : i32
      %dma_wait3A_87 = arith.constant 0 : i32
      %dma_wait3A_88 = tpu.memref_slice %arg4[%dma_wait3A_86, %dma_wait3A_87] : memref<10000x16xf32, #tpu.memory_space<hbm>> -> memref<10000x16xf32, #tpu.memory_space<hbm>>
      tpu.wait_indirect_dma semaphore(%arg16 : memref<!tpu.dma_semaphore, #tpu.memory_space<semaphore_mem>>) src(%dma_wait3A_88 : memref<10000x16xf32, #tpu.memory_space<hbm>>) dst(%arg11 : memref<80x16xf32, #tpu.memory_space<vmem>>)
      "tpu.region"() ({
        %run_scoped3A_114 = tpu.sem_alloc : memref<!tpu.dma_semaphore, #tpu.memory_space<semaphore_mem>>
        %dma_start3A_115 = arith.constant 0 : i32
        %dma_start3A_116 = tpu.memref_slice %arg7[%add3A_81, %dma_start3A_115] : memref<125x80xi32, #tpu.memory_space<vmem>> -> memref<1x80xi32, #tpu.memory_space<vmem>>
        %dma_start3A_117 = tpu.memref_squeeze %dma_start3A_116 : memref<1x80xi32, #tpu.memory_space<vmem>> -> memref<80xi32, #tpu.memory_space<vmem>>
        %dma_start3A_118 = arith.constant 0 : i32
        %dma_start3A_119 = arith.constant 0 : i32
        %dma_start3A_120 = tpu.memref_slice %arg13[%dma_start3A_118, %dma_start3A_119] : memref<10016x16xf32, #tpu.memory_space<vmem_shared>> -> memref<10016x16xf32, #tpu.memory_space<vmem_shared>>
        tpu.enqueue_indirect_dma source(%arg11 : memref<80x16xf32, #tpu.memory_space<vmem>>) target(%dma_start3A_120 : memref<10016x16xf32, #tpu.memory_space<vmem_shared>>) offsets(%dma_start3A_117 : memref<80xi32, #tpu.memory_space<vmem>>) semaphore(%run_scoped3A_114 : memref<!tpu.dma_semaphore, #tpu.memory_space<semaphore_mem>>) {add = true}
        %dma_wait3A_121 = arith.constant 0 : i32
        %dma_wait3A_122 = tpu.memref_slice %arg7[%add3A_81, %dma_wait3A_121] : memref<125x80xi32, #tpu.memory_space<vmem>> -> memref<1x80xi32, #tpu.memory_space<vmem>>
        %dma_wait3A_123 = tpu.memref_squeeze %dma_wait3A_122 : memref<1x80xi32, #tpu.memory_space<vmem>> -> memref<80xi32, #tpu.memory_space<vmem>>
        %dma_wait3A_124 = arith.constant 0 : i32
        %dma_wait3A_125 = arith.constant 0 : i32
        %dma_wait3A_126 = tpu.memref_slice %arg13[%dma_wait3A_124, %dma_wait3A_125] : memref<10016x16xf32, #tpu.memory_space<vmem_shared>> -> memref<10016x16xf32, #tpu.memory_space<vmem_shared>>
        tpu.wait_indirect_dma semaphore(%run_scoped3A_114 : memref<!tpu.dma_semaphore, #tpu.memory_space<semaphore_mem>>) src(%arg11 : memref<80x16xf32, #tpu.memory_space<vmem>>) dst(%dma_wait3A_126 : memref<10016x16xf32, #tpu.memory_space<vmem_shared>>)
        tpu.yield
      }) : () -> ()
      %add3A_89 = arith.constant 3 : i32
      %add3A_90 = arith.addi %add3A_81, %add3A_89 : i32
      %lt3A_91 = arith.constant 125 : i32
      %lt3A_92 = arith.cmpi slt, %add3A_90, %lt3A_91 : i32
      %convert_element_type3A_93 = arith.extui %lt3A_92 : i1 to i32
      %cond3A_94 = arith.constant 0 : i32
      %cond3A_95 = arith.cmpi ne, %convert_element_type3A_93, %cond3A_94 : i32
      scf.if %cond3A_95 {
        %add3A_114 = arith.constant 3 : i32
        %add3A_115 = arith.addi %add3A_81, %add3A_114 : i32
        %dma_start3A_116 = arith.constant 0 : i32
        %dma_start3A_117 = tpu.memref_slice %arg8[%add3A_115, %dma_start3A_116] : memref<125x80xi32, #tpu.memory_space<vmem>> -> memref<1x80xi32, #tpu.memory_space<vmem>>
        %dma_start3A_118 = tpu.memref_squeeze %dma_start3A_117 : memref<1x80xi32, #tpu.memory_space<vmem>> -> memref<80xi32, #tpu.memory_space<vmem>>
        %dma_start3A_119 = arith.constant 0 : i32
        %dma_start3A_120 = arith.constant 0 : i32
        %dma_start3A_121 = tpu.memref_slice %arg4[%dma_start3A_119, %dma_start3A_120] : memref<10000x16xf32, #tpu.memory_space<hbm>> -> memref<10000x16xf32, #tpu.memory_space<hbm>>
        tpu.enqueue_indirect_dma source(%dma_start3A_121 : memref<10000x16xf32, #tpu.memory_space<hbm>>) target(%arg10 : memref<80x16xf32, #tpu.memory_space<vmem>>) offsets(%dma_start3A_118 : memref<80xi32, #tpu.memory_space<vmem>>) semaphore(%arg15 : memref<!tpu.dma_semaphore, #tpu.memory_space<semaphore_mem>>)
      } else {
      }
      %mul3A_96 = arith.constant 4 : i32
      %mul3A_97 = arith.muli %mul3A_96, %scan3A_43 : i32
      %add3A_98 = arith.constant 3 : i32
      %add3A_99 = arith.addi %mul3A_97, %add3A_98 : i32
      %dma_wait3A_100 = arith.constant 0 : i32
      %dma_wait3A_101 = arith.constant 0 : i32
      %dma_wait3A_102 = tpu.memref_slice %arg8[%dma_wait3A_100, %dma_wait3A_101] : memref<125x80xi32, #tpu.memory_space<vmem>> -> memref<1x80xi32, #tpu.memory_space<vmem>>
      %dma_wait3A_103 = tpu.memref_squeeze %dma_wait3A_102 : memref<1x80xi32, #tpu.memory_space<vmem>> -> memref<80xi32, #tpu.memory_space<vmem>>
      %dma_wait3A_104 = arith.constant 0 : i32
      %dma_wait3A_105 = arith.constant 0 : i32
      %dma_wait3A_106 = tpu.memref_slice %arg4[%dma_wait3A_104, %dma_wait3A_105] : memref<10000x16xf32, #tpu.memory_space<hbm>> -> memref<10000x16xf32, #tpu.memory_space<hbm>>
      tpu.wait_indirect_dma semaphore(%arg17 : memref<!tpu.dma_semaphore, #tpu.memory_space<semaphore_mem>>) src(%dma_wait3A_106 : memref<10000x16xf32, #tpu.memory_space<hbm>>) dst(%arg12 : memref<80x16xf32, #tpu.memory_space<vmem>>)
      "tpu.region"() ({
        %run_scoped3A_114 = tpu.sem_alloc : memref<!tpu.dma_semaphore, #tpu.memory_space<semaphore_mem>>
        %dma_start3A_115 = arith.constant 0 : i32
        %dma_start3A_116 = tpu.memref_slice %arg7[%add3A_99, %dma_start3A_115] : memref<125x80xi32, #tpu.memory_space<vmem>> -> memref<1x80xi32, #tpu.memory_space<vmem>>
        %dma_start3A_117 = tpu.memref_squeeze %dma_start3A_116 : memref<1x80xi32, #tpu.memory_space<vmem>> -> memref<80xi32, #tpu.memory_space<vmem>>
        %dma_start3A_118 = arith.constant 0 : i32
        %dma_start3A_119 = arith.constant 0 : i32
        %dma_start3A_120 = tpu.memref_slice %arg13[%dma_start3A_118, %dma_start3A_119] : memref<10016x16xf32, #tpu.memory_space<vmem_shared>> -> memref<10016x16xf32, #tpu.memory_space<vmem_shared>>
        tpu.enqueue_indirect_dma source(%arg12 : memref<80x16xf32, #tpu.memory_space<vmem>>) target(%dma_start3A_120 : memref<10016x16xf32, #tpu.memory_space<vmem_shared>>) offsets(%dma_start3A_117 : memref<80xi32, #tpu.memory_space<vmem>>) semaphore(%run_scoped3A_114 : memref<!tpu.dma_semaphore, #tpu.memory_space<semaphore_mem>>) {add = true}
        %dma_wait3A_121 = arith.constant 0 : i32
        %dma_wait3A_122 = tpu.memref_slice %arg7[%add3A_99, %dma_wait3A_121] : memref<125x80xi32, #tpu.memory_space<vmem>> -> memref<1x80xi32, #tpu.memory_space<vmem>>
        %dma_wait3A_123 = tpu.memref_squeeze %dma_wait3A_122 : memref<1x80xi32, #tpu.memory_space<vmem>> -> memref<80xi32, #tpu.memory_space<vmem>>
        %dma_wait3A_124 = arith.constant 0 : i32
        %dma_wait3A_125 = arith.constant 0 : i32
        %dma_wait3A_126 = tpu.memref_slice %arg13[%dma_wait3A_124, %dma_wait3A_125] : memref<10016x16xf32, #tpu.memory_space<vmem_shared>> -> memref<10016x16xf32, #tpu.memory_space<vmem_shared>>
        tpu.wait_indirect_dma semaphore(%run_scoped3A_114 : memref<!tpu.dma_semaphore, #tpu.memory_space<semaphore_mem>>) src(%arg12 : memref<80x16xf32, #tpu.memory_space<vmem>>) dst(%dma_wait3A_126 : memref<10016x16xf32, #tpu.memory_space<vmem_shared>>)
        tpu.yield
      }) : () -> ()
      %add3A_107 = arith.constant 3 : i32
      %add3A_108 = arith.addi %add3A_99, %add3A_107 : i32
      %lt3A_109 = arith.constant 125 : i32
      %lt3A_110 = arith.cmpi slt, %add3A_108, %lt3A_109 : i32
      %convert_element_type3A_111 = arith.extui %lt3A_110 : i1 to i32
      %cond3A_112 = arith.constant 0 : i32
      %cond3A_113 = arith.cmpi ne, %convert_element_type3A_111, %cond3A_112 : i32
      scf.if %cond3A_113 {
        %add3A_114 = arith.constant 3 : i32
        %add3A_115 = arith.addi %add3A_99, %add3A_114 : i32
        %dma_start3A_116 = arith.constant 0 : i32
        %dma_start3A_117 = tpu.memref_slice %arg8[%add3A_115, %dma_start3A_116] : memref<125x80xi32, #tpu.memory_space<vmem>> -> memref<1x80xi32, #tpu.memory_space<vmem>>
        %dma_start3A_118 = tpu.memref_squeeze %dma_start3A_117 : memref<1x80xi32, #tpu.memory_space<vmem>> -> memref<80xi32, #tpu.memory_space<vmem>>
        %dma_start3A_119 = arith.constant 0 : i32
        %dma_start3A_120 = arith.constant 0 : i32
        %dma_start3A_121 = tpu.memref_slice %arg4[%dma_start3A_119, %dma_start3A_120] : memref<10000x16xf32, #tpu.memory_space<hbm>> -> memref<10000x16xf32, #tpu.memory_space<hbm>>
        tpu.enqueue_indirect_dma source(%dma_start3A_121 : memref<10000x16xf32, #tpu.memory_space<hbm>>) target(%arg11 : memref<80x16xf32, #tpu.memory_space<vmem>>) offsets(%dma_start3A_118 : memref<80xi32, #tpu.memory_space<vmem>>) semaphore(%arg16 : memref<!tpu.dma_semaphore, #tpu.memory_space<semaphore_mem>>)
      } else {
      }
    }
    %scan3A_26 = arith.constant 31 : i32
    %dma_wait3A = arith.constant 0 : i32
    %dma_wait3A_27 = arith.constant 0 : i32
    %dma_wait3A_28 = tpu.memref_slice %arg8[%dma_wait3A, %dma_wait3A_27] : memref<125x80xi32, #tpu.memory_space<vmem>> -> memref<1x80xi32, #tpu.memory_space<vmem>>
    %dma_wait3A_29 = tpu.memref_squeeze %dma_wait3A_28 : memref<1x80xi32, #tpu.memory_space<vmem>> -> memref<80xi32, #tpu.memory_space<vmem>>
    %dma_wait3A_30 = arith.constant 0 : i32
    %dma_wait3A_31 = arith.constant 0 : i32
    %dma_wait3A_32 = tpu.memref_slice %arg4[%dma_wait3A_30, %dma_wait3A_31] : memref<10000x16xf32, #tpu.memory_space<hbm>> -> memref<10000x16xf32, #tpu.memory_space<hbm>>
    tpu.wait_indirect_dma semaphore(%arg14 : memref<!tpu.dma_semaphore, #tpu.memory_space<semaphore_mem>>) src(%dma_wait3A_32 : memref<10000x16xf32, #tpu.memory_space<hbm>>) dst(%arg9 : memref<80x16xf32, #tpu.memory_space<vmem>>)
    %run_scoped3A = arith.constant 124 : i32
    "tpu.region"() ({
      %run_scoped3A_43 = tpu.sem_alloc : memref<!tpu.dma_semaphore, #tpu.memory_space<semaphore_mem>>
      %dma_start3A_44 = arith.constant 0 : i32
      %dma_start3A_45 = tpu.memref_slice %arg7[%run_scoped3A, %dma_start3A_44] : memref<125x80xi32, #tpu.memory_space<vmem>> -> memref<1x80xi32, #tpu.memory_space<vmem>>
      %dma_start3A_46 = tpu.memref_squeeze %dma_start3A_45 : memref<1x80xi32, #tpu.memory_space<vmem>> -> memref<80xi32, #tpu.memory_space<vmem>>
      %dma_start3A_47 = arith.constant 0 : i32
      %dma_start3A_48 = arith.constant 0 : i32
      %dma_start3A_49 = tpu.memref_slice %arg13[%dma_start3A_47, %dma_start3A_48] : memref<10016x16xf32, #tpu.memory_space<vmem_shared>> -> memref<10016x16xf32, #tpu.memory_space<vmem_shared>>
      tpu.enqueue_indirect_dma source(%arg9 : memref<80x16xf32, #tpu.memory_space<vmem>>) target(%dma_start3A_49 : memref<10016x16xf32, #tpu.memory_space<vmem_shared>>) offsets(%dma_start3A_46 : memref<80xi32, #tpu.memory_space<vmem>>) semaphore(%run_scoped3A_43 : memref<!tpu.dma_semaphore, #tpu.memory_space<semaphore_mem>>) {add = true}
      %dma_wait3A_50 = arith.constant 0 : i32
      %dma_wait3A_51 = tpu.memref_slice %arg7[%run_scoped3A, %dma_wait3A_50] : memref<125x80xi32, #tpu.memory_space<vmem>> -> memref<1x80xi32, #tpu.memory_space<vmem>>
      %dma_wait3A_52 = tpu.memref_squeeze %dma_wait3A_51 : memref<1x80xi32, #tpu.memory_space<vmem>> -> memref<80xi32, #tpu.memory_space<vmem>>
      %dma_wait3A_53 = arith.constant 0 : i32
      %dma_wait3A_54 = arith.constant 0 : i32
      %dma_wait3A_55 = tpu.memref_slice %arg13[%dma_wait3A_53, %dma_wait3A_54] : memref<10016x16xf32, #tpu.memory_space<vmem_shared>> -> memref<10016x16xf32, #tpu.memory_space<vmem_shared>>
      tpu.wait_indirect_dma semaphore(%run_scoped3A_43 : memref<!tpu.dma_semaphore, #tpu.memory_space<semaphore_mem>>) src(%arg9 : memref<80x16xf32, #tpu.memory_space<vmem>>) dst(%dma_wait3A_55 : memref<10016x16xf32, #tpu.memory_space<vmem_shared>>)
      tpu.yield
    }) : () -> ()
    %barrier3A_33 = arith.constant 0 : index
    tpu.barrier barrier_id(%barrier3A_33)
    %lt3A = arith.constant 15 : i32
    %lt3A_34 = arith.cmpi slt, %arg1, %lt3A : i32
    %convert_element_type3A_35 = arith.extui %lt3A_34 : i1 to i32
    %cond3A_36 = arith.constant 0 : i32
    %cond3A_37 = arith.cmpi ne, %convert_element_type3A_35, %cond3A_36 : i32
    scf.if %cond3A_37 {
      %mul3A = arith.constant 624 : i32
      %mul3A_43 = arith.muli %arg1, %mul3A : i32
      "tpu.region"() ({
        %run_scoped3A_44 = tpu.sem_alloc : memref<!tpu.dma_semaphore, #tpu.memory_space<semaphore_mem>>
        %dma_start3A_45 = arith.constant 0 : i32
        %dma_start3A_46 = arith.constant 0 : i32
        %dma_start3A_47 = tpu.memref_slice %arg6[%arg0, %dma_start3A_45, %dma_start3A_46] : memref<2x10000x16xf32, #tpu.memory_space<hbm>> -> memref<1x10000x16xf32, #tpu.memory_space<hbm>>
        %dma_start3A_48 = tpu.memref_squeeze %dma_start3A_47 : memref<1x10000x16xf32, #tpu.memory_space<hbm>> -> memref<10000x16xf32, #tpu.memory_space<hbm>>
        %dma_start3A_49 = arith.constant 0 : i32
        %dma_start3A_50 = tpu.memref_slice %dma_start3A_48[%mul3A_43, %dma_start3A_49] : memref<10000x16xf32, #tpu.memory_space<hbm>> -> memref<624x16xf32, #tpu.memory_space<hbm>>
        %dma_start3A_51 = arith.constant 0 : i32
        %dma_start3A_52 = tpu.memref_slice %arg13[%mul3A_43, %dma_start3A_51] : memref<10016x16xf32, #tpu.memory_space<vmem_shared>> -> memref<624x16xf32, #tpu.memory_space<vmem_shared>>
        tpu.enqueue_dma source(%dma_start3A_52 : memref<624x16xf32, #tpu.memory_space<vmem_shared>>) target(%dma_start3A_50 : memref<624x16xf32, #tpu.memory_space<hbm>>) target_semaphore(%run_scoped3A_44 : memref<!tpu.dma_semaphore, #tpu.memory_space<semaphore_mem>>)
        %dma_wait3A_53 = arith.constant 0 : i32
        %dma_wait3A_54 = arith.constant 0 : i32
        %dma_wait3A_55 = tpu.memref_slice %arg6[%arg0, %dma_wait3A_53, %dma_wait3A_54] : memref<2x10000x16xf32, #tpu.memory_space<hbm>> -> memref<1x10000x16xf32, #tpu.memory_space<hbm>>
        %dma_wait3A_56 = tpu.memref_squeeze %dma_wait3A_55 : memref<1x10000x16xf32, #tpu.memory_space<hbm>> -> memref<10000x16xf32, #tpu.memory_space<hbm>>
        %dma_wait3A_57 = arith.constant 0 : i32
        %dma_wait3A_58 = tpu.memref_slice %dma_wait3A_56[%mul3A_43, %dma_wait3A_57] : memref<10000x16xf32, #tpu.memory_space<hbm>> -> memref<624x16xf32, #tpu.memory_space<hbm>>
        %dma_wait3A_59 = arith.constant 0 : i32
        %dma_wait3A_60 = tpu.memref_slice %arg13[%mul3A_43, %dma_wait3A_59] : memref<10016x16xf32, #tpu.memory_space<vmem_shared>> -> memref<624x16xf32, #tpu.memory_space<vmem_shared>>
        tpu.wait_dma2 semaphore(%run_scoped3A_44 : memref<!tpu.dma_semaphore, #tpu.memory_space<semaphore_mem>>) src(%dma_wait3A_60 : memref<624x16xf32, #tpu.memory_space<vmem_shared>>) dst(%dma_wait3A_58 : memref<624x16xf32, #tpu.memory_space<hbm>>)
        tpu.yield
      }) : () -> ()
    } else {
    }
    %eq3A_38 = arith.constant 15 : i32
    %eq3A_39 = arith.cmpi eq, %arg1, %eq3A_38 : i32
    %convert_element_type3A_40 = arith.extui %eq3A_39 : i1 to i32
    %cond3A_41 = arith.constant 0 : i32
    %cond3A_42 = arith.cmpi ne, %convert_element_type3A_40, %cond3A_41 : i32
    scf.if %cond3A_42 {
      "tpu.region"() ({
        %run_scoped3A_43 = tpu.sem_alloc : memref<!tpu.dma_semaphore, #tpu.memory_space<semaphore_mem>>
        %dma_start3A_44 = arith.constant 0 : i32
        %dma_start3A_45 = arith.constant 0 : i32
        %dma_start3A_46 = tpu.memref_slice %arg6[%arg0, %dma_start3A_44, %dma_start3A_45] : memref<2x10000x16xf32, #tpu.memory_space<hbm>> -> memref<1x10000x16xf32, #tpu.memory_space<hbm>>
        %dma_start3A_47 = tpu.memref_squeeze %dma_start3A_46 : memref<1x10000x16xf32, #tpu.memory_space<hbm>> -> memref<10000x16xf32, #tpu.memory_space<hbm>>
        %dma_start3A_48 = arith.constant 9360 : i32
        %dma_start3A_49 = arith.constant 0 : i32
        %dma_start3A_50 = tpu.memref_slice %dma_start3A_47[%dma_start3A_48, %dma_start3A_49] : memref<10000x16xf32, #tpu.memory_space<hbm>> -> memref<640x16xf32, #tpu.memory_space<hbm>>
        %dma_start3A_51 = arith.constant 9360 : i32
        %dma_start3A_52 = arith.constant 0 : i32
        %dma_start3A_53 = tpu.memref_slice %arg13[%dma_start3A_51, %dma_start3A_52] : memref<10016x16xf32, #tpu.memory_space<vmem_shared>> -> memref<640x16xf32, #tpu.memory_space<vmem_shared>>
        tpu.enqueue_dma source(%dma_start3A_53 : memref<640x16xf32, #tpu.memory_space<vmem_shared>>) target(%dma_start3A_50 : memref<640x16xf32, #tpu.memory_space<hbm>>) target_semaphore(%run_scoped3A_43 : memref<!tpu.dma_semaphore, #tpu.memory_space<semaphore_mem>>)
        %dma_wait3A_54 = arith.constant 0 : i32
        %dma_wait3A_55 = arith.constant 0 : i32
        %dma_wait3A_56 = tpu.memref_slice %arg6[%arg0, %dma_wait3A_54, %dma_wait3A_55] : memref<2x10000x16xf32, #tpu.memory_space<hbm>> -> memref<1x10000x16xf32, #tpu.memory_space<hbm>>
        %dma_wait3A_57 = tpu.memref_squeeze %dma_wait3A_56 : memref<1x10000x16xf32, #tpu.memory_space<hbm>> -> memref<10000x16xf32, #tpu.memory_space<hbm>>
        %dma_wait3A_58 = arith.constant 9360 : i32
        %dma_wait3A_59 = arith.constant 0 : i32
        %dma_wait3A_60 = tpu.memref_slice %dma_wait3A_57[%dma_wait3A_58, %dma_wait3A_59] : memref<10000x16xf32, #tpu.memory_space<hbm>> -> memref<640x16xf32, #tpu.memory_space<hbm>>
        %dma_wait3A_61 = arith.constant 9360 : i32
        %dma_wait3A_62 = arith.constant 0 : i32
        %dma_wait3A_63 = tpu.memref_slice %arg13[%dma_wait3A_61, %dma_wait3A_62] : memref<10016x16xf32, #tpu.memory_space<vmem_shared>> -> memref<640x16xf32, #tpu.memory_space<vmem_shared>>
        tpu.wait_dma2 semaphore(%run_scoped3A_43 : memref<!tpu.dma_semaphore, #tpu.memory_space<semaphore_mem>>) src(%dma_wait3A_63 : memref<640x16xf32, #tpu.memory_space<vmem_shared>>) dst(%dma_wait3A_60 : memref<640x16xf32, #tpu.memory_space<hbm>>)
        tpu.yield
      }) : () -> ()
    } else {
    }
    return
  }
}

#map = affine_map<(d0, d1) -> (0, 0, 0, 0)>
#map1 = affine_map<(d0, d1) -> (0)>
#map2 = affine_map<(d0, d1) -> (0, 0)>
module attributes {stable_mosaic.version = 14 : i64} {
  func.func @_sc_degree(%arg0: i32, %arg1: i32, %arg2: memref<2x16x125x80xi32, #tpu.memory_space<hbm>>, %arg3: memref<10016xf32, #tpu.memory_space<hbm>>, %arg4: memref<2x10000xf32, #tpu.memory_space<hbm>>, %arg5: memref<125x80xi32, #tpu.memory_space<vmem>>, %arg6: memref<80xf32, #tpu.memory_space<vmem>>, %arg7: memref<10016xf32, #tpu.memory_space<vmem_shared>>) attributes {dimension_semantics = [#tpu.dimension_semantics<core_parallel>, #tpu.dimension_semantics<subcore_parallel>], iteration_bounds = array<i64: 2, 16>, scalar_prefetch = 0 : i64, scratch_operands = 3 : i64, tpu.core_type = #tpu.core_type<sc_vector_subcore>, window_params = [{transform_indices = #map}, {transform_indices = #map1}, {transform_indices = #map2}]} {
    %eq3A = arith.constant 0 : i32
    %eq3A_0 = arith.cmpi eq, %arg1, %eq3A : i32
    %convert_element_type3A = arith.extui %eq3A_0 : i1 to i32
    %cond3A = arith.constant 0 : i32
    %cond3A_1 = arith.cmpi ne, %convert_element_type3A, %cond3A : i32
    scf.if %cond3A_1 {
      "tpu.region"() ({
        %run_scoped3A = tpu.sem_alloc : memref<!tpu.dma_semaphore, #tpu.memory_space<semaphore_mem>>
        tpu.enqueue_dma source(%arg3 : memref<10016xf32, #tpu.memory_space<hbm>>) target(%arg7 : memref<10016xf32, #tpu.memory_space<vmem_shared>>) target_semaphore(%run_scoped3A : memref<!tpu.dma_semaphore, #tpu.memory_space<semaphore_mem>>)
        tpu.wait_dma2 semaphore(%run_scoped3A : memref<!tpu.dma_semaphore, #tpu.memory_space<semaphore_mem>>) src(%arg3 : memref<10016xf32, #tpu.memory_space<hbm>>) dst(%arg7 : memref<10016xf32, #tpu.memory_space<vmem_shared>>)
        tpu.yield
      }) : () -> ()
    } else {
    }
    "tpu.region"() ({
      %run_scoped3A = tpu.sem_alloc : memref<!tpu.dma_semaphore, #tpu.memory_space<semaphore_mem>>
      %dma_start3A = arith.constant 0 : i32
      %dma_start3A_41 = arith.constant 0 : i32
      %dma_start3A_42 = tpu.memref_slice %arg2[%arg0, %arg1, %dma_start3A, %dma_start3A_41] : memref<2x16x125x80xi32, #tpu.memory_space<hbm>> -> memref<1x1x125x80xi32, #tpu.memory_space<hbm>>
      %dma_start3A_43 = tpu.memref_squeeze %dma_start3A_42 : memref<1x1x125x80xi32, #tpu.memory_space<hbm>> -> memref<125x80xi32, #tpu.memory_space<hbm>>
      %dma_start3A_44 = arith.constant 0 : i32
      %dma_start3A_45 = arith.constant 0 : i32
      %dma_start3A_46 = tpu.memref_slice %arg2[%arg0, %arg1, %dma_start3A_44, %dma_start3A_45] : memref<2x16x125x80xi32, #tpu.memory_space<hbm>> -> memref<1x1x125x80xi32, #tpu.memory_space<hbm>>
      %dma_start3A_47 = tpu.memref_squeeze %dma_start3A_46 : memref<1x1x125x80xi32, #tpu.memory_space<hbm>> -> memref<125x80xi32, #tpu.memory_space<hbm>>
      tpu.enqueue_dma source(%dma_start3A_47 : memref<125x80xi32, #tpu.memory_space<hbm>>) target(%arg5 : memref<125x80xi32, #tpu.memory_space<vmem>>) target_semaphore(%run_scoped3A : memref<!tpu.dma_semaphore, #tpu.memory_space<semaphore_mem>>)
      %dma_wait3A = arith.constant 0 : i32
      %dma_wait3A_48 = arith.constant 0 : i32
      %dma_wait3A_49 = tpu.memref_slice %arg2[%arg0, %arg1, %dma_wait3A, %dma_wait3A_48] : memref<2x16x125x80xi32, #tpu.memory_space<hbm>> -> memref<1x1x125x80xi32, #tpu.memory_space<hbm>>
      %dma_wait3A_50 = tpu.memref_squeeze %dma_wait3A_49 : memref<1x1x125x80xi32, #tpu.memory_space<hbm>> -> memref<125x80xi32, #tpu.memory_space<hbm>>
      %dma_wait3A_51 = arith.constant 0 : i32
      %dma_wait3A_52 = arith.constant 0 : i32
      %dma_wait3A_53 = tpu.memref_slice %arg2[%arg0, %arg1, %dma_wait3A_51, %dma_wait3A_52] : memref<2x16x125x80xi32, #tpu.memory_space<hbm>> -> memref<1x1x125x80xi32, #tpu.memory_space<hbm>>
      %dma_wait3A_54 = tpu.memref_squeeze %dma_wait3A_53 : memref<1x1x125x80xi32, #tpu.memory_space<hbm>> -> memref<125x80xi32, #tpu.memory_space<hbm>>
      tpu.wait_dma2 semaphore(%run_scoped3A : memref<!tpu.dma_semaphore, #tpu.memory_space<semaphore_mem>>) src(%dma_wait3A_54 : memref<125x80xi32, #tpu.memory_space<hbm>>) dst(%arg5 : memref<125x80xi32, #tpu.memory_space<vmem>>)
      tpu.yield
    }) : () -> ()
    %broadcast_in_dim3A = arith.constant 1.000000e+00 : f32
    %broadcast_in_dim3A_2 = vector.broadcast %broadcast_in_dim3A : f32 to vector<16xf32>
    %swap3A = arith.constant 0 : index
    %swap3A_3 = tpu.vector_load %arg6[%swap3A] {strides = array<i32>} : memref<80xf32, #tpu.memory_space<vmem>>, vector<16xf32>,
    %swap3A_4 = vector.shape_cast %swap3A_3 : vector<16xf32> to vector<16xf32>
    %swap3A_5 = vector.shape_cast %broadcast_in_dim3A_2 : vector<16xf32> to vector<16xf32>
    tpu.vector_store %arg6[%swap3A], %swap3A_5 {strides = array<i32>} : memref<80xf32, #tpu.memory_space<vmem>>, vector<16xf32>,
    %broadcast_in_dim3A_6 = arith.constant 1.000000e+00 : f32
    %broadcast_in_dim3A_7 = vector.broadcast %broadcast_in_dim3A_6 : f32 to vector<16xf32>
    %swap3A_8 = arith.constant 16 : index
    %swap3A_9 = tpu.vector_load %arg6[%swap3A_8] {strides = array<i32>} : memref<80xf32, #tpu.memory_space<vmem>>, vector<16xf32>,
    %swap3A_10 = vector.shape_cast %swap3A_9 : vector<16xf32> to vector<16xf32>
    %swap3A_11 = vector.shape_cast %broadcast_in_dim3A_7 : vector<16xf32> to vector<16xf32>
    tpu.vector_store %arg6[%swap3A_8], %swap3A_11 {strides = array<i32>} : memref<80xf32, #tpu.memory_space<vmem>>, vector<16xf32>,
    %broadcast_in_dim3A_12 = arith.constant 1.000000e+00 : f32
    %broadcast_in_dim3A_13 = vector.broadcast %broadcast_in_dim3A_12 : f32 to vector<16xf32>
    %swap3A_14 = arith.constant 32 : index
    %swap3A_15 = tpu.vector_load %arg6[%swap3A_14] {strides = array<i32>} : memref<80xf32, #tpu.memory_space<vmem>>, vector<16xf32>,
    %swap3A_16 = vector.shape_cast %swap3A_15 : vector<16xf32> to vector<16xf32>
    %swap3A_17 = vector.shape_cast %broadcast_in_dim3A_13 : vector<16xf32> to vector<16xf32>
    tpu.vector_store %arg6[%swap3A_14], %swap3A_17 {strides = array<i32>} : memref<80xf32, #tpu.memory_space<vmem>>, vector<16xf32>,
    %broadcast_in_dim3A_18 = arith.constant 1.000000e+00 : f32
    %broadcast_in_dim3A_19 = vector.broadcast %broadcast_in_dim3A_18 : f32 to vector<16xf32>
    %swap3A_20 = arith.constant 48 : index
    %swap3A_21 = tpu.vector_load %arg6[%swap3A_20] {strides = array<i32>} : memref<80xf32, #tpu.memory_space<vmem>>, vector<16xf32>,
    %swap3A_22 = vector.shape_cast %swap3A_21 : vector<16xf32> to vector<16xf32>
    %swap3A_23 = vector.shape_cast %broadcast_in_dim3A_19 : vector<16xf32> to vector<16xf32>
    tpu.vector_store %arg6[%swap3A_20], %swap3A_23 {strides = array<i32>} : memref<80xf32, #tpu.memory_space<vmem>>, vector<16xf32>,
    %broadcast_in_dim3A_24 = arith.constant 1.000000e+00 : f32
    %broadcast_in_dim3A_25 = vector.broadcast %broadcast_in_dim3A_24 : f32 to vector<16xf32>
    %swap3A_26 = arith.constant 64 : index
    %swap3A_27 = tpu.vector_load %arg6[%swap3A_26] {strides = array<i32>} : memref<80xf32, #tpu.memory_space<vmem>>, vector<16xf32>,
    %swap3A_28 = vector.shape_cast %swap3A_27 : vector<16xf32> to vector<16xf32>
    %swap3A_29 = vector.shape_cast %broadcast_in_dim3A_25 : vector<16xf32> to vector<16xf32>
    tpu.vector_store %arg6[%swap3A_26], %swap3A_29 {strides = array<i32>} : memref<80xf32, #tpu.memory_space<vmem>>, vector<16xf32>,
    %barrier3A = arith.constant 0 : index
    tpu.barrier barrier_id(%barrier3A)
    %scan3A = arith.constant 0 : i32
    %scan3A_30 = arith.constant 0 : i32
    %scan3A_31 = arith.constant 125 : i32
    %scan3A_32 = arith.addi %scan3A_30, %scan3A_31 : i32
    %scan3A_33 = arith.constant 1 : i32
    scf.for %scan3A_41 = %scan3A_30 to %scan3A_32 step %scan3A_33  : i32 {
      "tpu.region"() ({
        %run_scoped3A = tpu.sem_alloc : memref<!tpu.dma_semaphore, #tpu.memory_space<semaphore_mem>>
        %dma_start3A = arith.constant 0 : i32
        %dma_start3A_42 = tpu.memref_slice %arg5[%scan3A_41, %dma_start3A] : memref<125x80xi32, #tpu.memory_space<vmem>> -> memref<1x80xi32, #tpu.memory_space<vmem>>
        %dma_start3A_43 = tpu.memref_squeeze %dma_start3A_42 : memref<1x80xi32, #tpu.memory_space<vmem>> -> memref<80xi32, #tpu.memory_space<vmem>>
        %dma_start3A_44 = arith.constant 0 : i32
        %dma_start3A_45 = tpu.memref_slice %arg7[%dma_start3A_44] : memref<10016xf32, #tpu.memory_space<vmem_shared>> -> memref<10016xf32, #tpu.memory_space<vmem_shared>>
        tpu.enqueue_indirect_dma source(%arg6 : memref<80xf32, #tpu.memory_space<vmem>>) target(%dma_start3A_45 : memref<10016xf32, #tpu.memory_space<vmem_shared>>) offsets(%dma_start3A_43 : memref<80xi32, #tpu.memory_space<vmem>>) semaphore(%run_scoped3A : memref<!tpu.dma_semaphore, #tpu.memory_space<semaphore_mem>>) {add = true}
        %dma_wait3A = arith.constant 0 : i32
        %dma_wait3A_46 = tpu.memref_slice %arg5[%scan3A_41, %dma_wait3A] : memref<125x80xi32, #tpu.memory_space<vmem>> -> memref<1x80xi32, #tpu.memory_space<vmem>>
        %dma_wait3A_47 = tpu.memref_squeeze %dma_wait3A_46 : memref<1x80xi32, #tpu.memory_space<vmem>> -> memref<80xi32, #tpu.memory_space<vmem>>
        %dma_wait3A_48 = arith.constant 0 : i32
        %dma_wait3A_49 = tpu.memref_slice %arg7[%dma_wait3A_48] : memref<10016xf32, #tpu.memory_space<vmem_shared>> -> memref<10016xf32, #tpu.memory_space<vmem_shared>>
        tpu.wait_indirect_dma semaphore(%run_scoped3A : memref<!tpu.dma_semaphore, #tpu.memory_space<semaphore_mem>>) src(%arg6 : memref<80xf32, #tpu.memory_space<vmem>>) dst(%dma_wait3A_49 : memref<10016xf32, #tpu.memory_space<vmem_shared>>)
        tpu.yield
      }) : () -> ()
    }
    %scan3A_34 = arith.constant 125 : i32
    %barrier3A_35 = arith.constant 0 : index
    tpu.barrier barrier_id(%barrier3A_35)
    %eq3A_36 = arith.constant 0 : i32
    %eq3A_37 = arith.cmpi eq, %arg1, %eq3A_36 : i32
    %convert_element_type3A_38 = arith.extui %eq3A_37 : i1 to i32
    %cond3A_39 = arith.constant 0 : i32
    %cond3A_40 = arith.cmpi ne, %convert_element_type3A_38, %cond3A_39 : i32
    scf.if %cond3A_40 {
      "tpu.region"() ({
        %run_scoped3A = tpu.sem_alloc : memref<!tpu.dma_semaphore, #tpu.memory_space<semaphore_mem>>
        %dma_start3A = arith.constant 0 : i32
        %dma_start3A_41 = tpu.memref_slice %arg4[%arg0, %dma_start3A] : memref<2x10000xf32, #tpu.memory_space<hbm>> -> memref<1x10000xf32, #tpu.memory_space<hbm>>
        %dma_start3A_42 = tpu.memref_squeeze %dma_start3A_41 : memref<1x10000xf32, #tpu.memory_space<hbm>> -> memref<10000xf32, #tpu.memory_space<hbm>>
        %dma_start3A_43 = arith.constant 0 : i32
        %dma_start3A_44 = tpu.memref_slice %arg7[%dma_start3A_43] : memref<10016xf32, #tpu.memory_space<vmem_shared>> -> memref<10000xf32, #tpu.memory_space<vmem_shared>>
        tpu.enqueue_dma source(%dma_start3A_44 : memref<10000xf32, #tpu.memory_space<vmem_shared>>) target(%dma_start3A_42 : memref<10000xf32, #tpu.memory_space<hbm>>) target_semaphore(%run_scoped3A : memref<!tpu.dma_semaphore, #tpu.memory_space<semaphore_mem>>)
        %dma_wait3A = arith.constant 0 : i32
        %dma_wait3A_45 = tpu.memref_slice %arg4[%arg0, %dma_wait3A] : memref<2x10000xf32, #tpu.memory_space<hbm>> -> memref<1x10000xf32, #tpu.memory_space<hbm>>
        %dma_wait3A_46 = tpu.memref_squeeze %dma_wait3A_45 : memref<1x10000xf32, #tpu.memory_space<hbm>> -> memref<10000xf32, #tpu.memory_space<hbm>>
        %dma_wait3A_47 = arith.constant 0 : i32
        %dma_wait3A_48 = tpu.memref_slice %arg7[%dma_wait3A_47] : memref<10016xf32, #tpu.memory_space<vmem_shared>> -> memref<10000xf32, #tpu.memory_space<vmem_shared>>
        tpu.wait_dma2 semaphore(%run_scoped3A : memref<!tpu.dma_semaphore, #tpu.memory_space<semaphore_mem>>) src(%dma_wait3A_48 : memref<10000xf32, #tpu.memory_space<vmem_shared>>) dst(%dma_wait3A_46 : memref<10000xf32, #tpu.memory_space<hbm>>)
        tpu.yield
      }) : () -> ()
    } else {
    }
    return
  }
}

module attributes {stable_mosaic.version = 14 : i64} {
  func.func @_mm1_body(%arg0: i32, %arg1: memref<1000x2xf32, #tpu.memory_space<vmem>>, %arg2: memref<1000x128xf32, #tpu.memory_space<vmem>>, %arg3: memref<128x16xf32, #tpu.memory_space<vmem>>, %arg4: memref<128x16xf32, #tpu.memory_space<vmem>>, %arg5: memref<1000x1xf32, #tpu.memory_space<vmem>>, %arg6: memref<1000x16xf32, #tpu.memory_space<vmem>>, %arg7: memref<1000x16xf32, #tpu.memory_space<vmem>>) attributes {dimension_semantics = [#tpu.dimension_semantics<arbitrary>], iteration_bounds = array<i64: 10>, scalar_prefetch = 0 : i64, scratch_operands = 0 : i64, tpu.core_type = #tpu.core_type<tc>, window_params = [{transform_indices = @transform_0, window_bounds = array<i64: 1000, 2>}, {transform_indices = @transform_1, window_bounds = array<i64: 1000, 128>}, {pipeline_mode = #tpu.pipeline_mode<synchronous>, transform_indices = @transform_2, window_bounds = array<i64: 128, 16>}, {pipeline_mode = #tpu.pipeline_mode<synchronous>, transform_indices = @transform_3, window_bounds = array<i64: 128, 16>}, {transform_indices = @transform_4, window_bounds = array<i64: 1000, 1>}, {transform_indices = @transform_5, window_bounds = array<i64: 1000, 16>}, {transform_indices = @transform_6, window_bounds = array<i64: 1000, 16>}]} {
    %get3A = arith.constant 0 : index
    %get3A_0 = arith.constant 0 : index
    %get3A_1 = vector.load %arg1[%get3A, %get3A_0] : memref<1000x2xf32, #tpu.memory_space<vmem>>, vector<1000x1xf32>
    %get3A_2 = arith.constant 0 : index
    %get3A_3 = arith.constant 1 : index
    %get3A_4 = vector.load %arg1[%get3A_2, %get3A_3] : memref<1000x2xf32, #tpu.memory_space<vmem>>, vector<1000x1xf32>
    %add3A = arith.addf %get3A_1, %get3A_4 : vector<1000x1xf32>
    %gt3A = arith.constant 0.000000e+00 : f32
    %gt3A_5 = vector.broadcast %gt3A : f32 to vector<1000x1xf32>
    %gt3A_6 = arith.cmpf ogt, %add3A, %gt3A_5 : vector<1000x1xf32>
    %gt3A_7 = arith.constant 0.000000e+00 : f32
    %gt3A_8 = vector.broadcast %gt3A_7 : f32 to vector<1000x1xf32>
    %gt3A_9 = arith.cmpf ogt, %add3A, %gt3A_8 : vector<1000x1xf32>
    %jit3A = arith.constant 1.000000e+00 : f32
    %broadcast_in_dim3A = vector.broadcast %jit3A : f32 to vector<1000x1xf32>
    %select_n3A = arith.select %gt3A_9, %add3A, %broadcast_in_dim3A : vector<1000x1xi1>, vector<1000x1xf32>
    %rsqrt3A = math.rsqrt %select_n3A : vector<1000x1xf32>
    %jit3A_10 = arith.constant 0.000000e+00 : f32
    %broadcast_in_dim3A_11 = vector.broadcast %jit3A_10 : f32 to vector<1000x1xf32>
    %select_n3A_12 = arith.select %gt3A_6, %rsqrt3A, %broadcast_in_dim3A_11 : vector<1000x1xi1>, vector<1000x1xf32>
    %swap3A = arith.constant 0 : index
    %swap3A_13 = arith.constant 0 : index
    %swap3A_14 = vector.load %arg5[%swap3A, %swap3A_13] : memref<1000x1xf32, #tpu.memory_space<vmem>>, vector<1000x1xf32>
    tpu.vector_store %arg5[%swap3A, %swap3A_13], %select_n3A_12 {strides = array<i32>} : memref<1000x1xf32, #tpu.memory_space<vmem>>, vector<1000x1xf32>,
    %get3A_15 = arith.constant 0 : index
    %get3A_16 = arith.constant 0 : index
    %get3A_17 = vector.load %arg2[%get3A_15, %get3A_16] : memref<1000x128xf32, #tpu.memory_space<vmem>>, vector<1000x128xf32>
    %get3A_18 = arith.constant 0 : index
    %get3A_19 = arith.constant 0 : index
    %get3A_20 = vector.load %arg3[%get3A_18, %get3A_19] : memref<128x16xf32, #tpu.memory_space<vmem>>, vector<128x16xf32>
    %dot_general3A = arith.constant dense<0.000000e+00> : vector<1000x16xf32>
    %dot_general3A_21 = tpu.matmul %get3A_17, %get3A_20, %dot_general3A {dimension_numbers = #tpu.dot_dimension_numbers<[1], [0], [0], [1], [0, 0, 1, 1], [], []>, transpose_lhs_hint = false} : vector<1000x128xf32>, vector<128x16xf32>, vector<1000x16xf32> -> vector<1000x16xf32>
    %swap3A_22 = arith.constant 0 : index
    %swap3A_23 = arith.constant 0 : index
    %swap3A_24 = vector.load %arg6[%swap3A_22, %swap3A_23] : memref<1000x16xf32, #tpu.memory_space<vmem>>, vector<1000x16xf32>
    tpu.vector_store %arg6[%swap3A_22, %swap3A_23], %dot_general3A_21 {strides = array<i32>} : memref<1000x16xf32, #tpu.memory_space<vmem>>, vector<1000x16xf32>,
    %mul3A = vector.broadcast %select_n3A_12 : vector<1000x1xf32> to vector<1000x128xf32>
    %mul3A_25 = arith.mulf %mul3A, %get3A_17 : vector<1000x128xf32>
    %get3A_26 = arith.constant 0 : index
    %get3A_27 = arith.constant 0 : index
    %get3A_28 = vector.load %arg4[%get3A_26, %get3A_27] : memref<128x16xf32, #tpu.memory_space<vmem>>, vector<128x16xf32>
    %dot_general3A_29 = arith.constant dense<0.000000e+00> : vector<1000x16xf32>
    %dot_general3A_30 = tpu.matmul %mul3A_25, %get3A_28, %dot_general3A_29 {dimension_numbers = #tpu.dot_dimension_numbers<[1], [0], [0], [1], [0, 0, 1, 1], [], []>, transpose_lhs_hint = false} : vector<1000x128xf32>, vector<128x16xf32>, vector<1000x16xf32> -> vector<1000x16xf32>
    %swap3A_31 = arith.constant 0 : index
    %swap3A_32 = arith.constant 0 : index
    %swap3A_33 = vector.load %arg7[%swap3A_31, %swap3A_32] : memref<1000x16xf32, #tpu.memory_space<vmem>>, vector<1000x16xf32>
    tpu.vector_store %arg7[%swap3A_31, %swap3A_32], %dot_general3A_30 {strides = array<i32>} : memref<1000x16xf32, #tpu.memory_space<vmem>>, vector<1000x16xf32>,
    return
  }
  func.func @transform_0(%arg0: i32) -> (i32, i32) {
    %c0_i32 = arith.constant 0 : i32
    %c0_i32_0 = arith.constant 0 : i32
    return %arg0, %c0_i32 : i32, i32
  }
  func.func @transform_1(%arg0: i32) -> (i32, i32) {
    %c0_i32 = arith.constant 0 : i32
    %c0_i32_0 = arith.constant 0 : i32
    return %arg0, %c0_i32 : i32, i32
  }
  func.func @transform_2(%arg0: i32) -> (i32, i32) {
    %c0_i32 = arith.constant 0 : i32
    %c0_i32_0 = arith.constant 0 : i32
    %c0_i32_1 = arith.constant 0 : i32
    return %c0_i32, %c0_i32_0 : i32, i32
  }
  func.func @transform_3(%arg0: i32) -> (i32, i32) {
    %c0_i32 = arith.constant 0 : i32
    %c0_i32_0 = arith.constant 0 : i32
    %c0_i32_1 = arith.constant 0 : i32
    return %c0_i32, %c0_i32_0 : i32, i32
  }
  func.func @transform_4(%arg0: i32) -> (i32, i32) {
    %c0_i32 = arith.constant 0 : i32
    %c0_i32_0 = arith.constant 0 : i32
    return %arg0, %c0_i32 : i32, i32
  }
  func.func @transform_5(%arg0: i32) -> (i32, i32) {
    %c0_i32 = arith.constant 0 : i32
    %c0_i32_0 = arith.constant 0 : i32
    return %arg0, %c0_i32 : i32, i32
  }
  func.func @transform_6(%arg0: i32) -> (i32, i32) {
    %c0_i32 = arith.constant 0 : i32
    %c0_i32_0 = arith.constant 0 : i32
    return %arg0, %c0_i32 : i32, i32
  }
}

module attributes {stable_mosaic.version = 14 : i64} {
  func.func @_l1_body(%arg0: memref<10000x16xf32, #tpu.memory_space<vmem>>, %arg1: memref<2x10000x16xf32, #tpu.memory_space<vmem>>, %arg2: memref<10000x1xf32, #tpu.memory_space<vmem>>, %arg3: memref<16xf32, #tpu.memory_space<vmem>>, %arg4: memref<10000x16xf32, #tpu.memory_space<vmem>>, %arg5: memref<10000x16xf32, #tpu.memory_space<vmem>>) attributes {dimension_semantics = [], scalar_prefetch = 0 : i64, scratch_operands = 0 : i64, tpu.core_type = #tpu.core_type<tc>} {
    %get3A = arith.constant 0 : index
    %get3A_0 = arith.constant 0 : index
    %get3A_1 = arith.constant 0 : index
    %get3A_2 = vector.load %arg1[%get3A, %get3A_0, %get3A_1] : memref<2x10000x16xf32, #tpu.memory_space<vmem>>, vector<1x10000x16xf32>
    %get3A_3 = vector.shape_cast %get3A_2 : vector<1x10000x16xf32> to vector<10000x16xf32>
    %get3A_4 = arith.constant 1 : index
    %get3A_5 = arith.constant 0 : index
    %get3A_6 = arith.constant 0 : index
    %get3A_7 = vector.load %arg1[%get3A_4, %get3A_5, %get3A_6] : memref<2x10000x16xf32, #tpu.memory_space<vmem>>, vector<1x10000x16xf32>
    %get3A_8 = vector.shape_cast %get3A_7 : vector<1x10000x16xf32> to vector<10000x16xf32>
    %add3A = arith.addf %get3A_3, %get3A_8 : vector<10000x16xf32>
    %get3A_9 = arith.constant 0 : index
    %get3A_10 = arith.constant 0 : index
    %get3A_11 = vector.load %arg0[%get3A_9, %get3A_10] : memref<10000x16xf32, #tpu.memory_space<vmem>>, vector<10000x16xf32>
    %get3A_12 = arith.constant 0 : index
    %get3A_13 = arith.constant 0 : index
    %get3A_14 = vector.load %arg2[%get3A_12, %get3A_13] : memref<10000x1xf32, #tpu.memory_space<vmem>>, vector<10000x1xf32>
    %mul3A = vector.broadcast %get3A_14 : vector<10000x1xf32> to vector<10000x16xf32>
    %mul3A_15 = arith.mulf %mul3A, %add3A : vector<10000x16xf32>
    %sub3A = arith.subf %get3A_11, %mul3A_15 : vector<10000x16xf32>
    %get3A_16 = arith.constant 0 : index
    %get3A_17 = vector.load %arg3[%get3A_16] : memref<16xf32, #tpu.memory_space<vmem>>, vector<16xf32>
    %broadcast_in_dim3A = vector.shape_cast %get3A_17 : vector<16xf32> to vector<1x16xf32>
    %add3A_18 = vector.broadcast %broadcast_in_dim3A : vector<1x16xf32> to vector<10000x16xf32>
    %add3A_19 = arith.addf %sub3A, %add3A_18 : vector<10000x16xf32>
    %max3A = arith.constant 0.000000e+00 : f32
    %max3A_20 = vector.broadcast %max3A : f32 to vector<10000x16xf32>
    %max3A_21 = arith.maximumf %add3A_19, %max3A_20 : vector<10000x16xf32>
    %swap3A = arith.constant 0 : index
    %swap3A_22 = arith.constant 0 : index
    %swap3A_23 = vector.load %arg4[%swap3A, %swap3A_22] : memref<10000x16xf32, #tpu.memory_space<vmem>>, vector<10000x16xf32>
    tpu.vector_store %arg4[%swap3A, %swap3A_22], %max3A_21 {strides = array<i32>} : memref<10000x16xf32, #tpu.memory_space<vmem>>, vector<10000x16xf32>,
    %get3A_24 = arith.constant 0 : index
    %get3A_25 = arith.constant 0 : index
    %get3A_26 = vector.load %arg2[%get3A_24, %get3A_25] : memref<10000x1xf32, #tpu.memory_space<vmem>>, vector<10000x1xf32>
    %mul3A_27 = vector.broadcast %get3A_26 : vector<10000x1xf32> to vector<10000x16xf32>
    %mul3A_28 = arith.mulf %mul3A_27, %max3A_21 : vector<10000x16xf32>
    %swap3A_29 = arith.constant 0 : index
    %swap3A_30 = arith.constant 0 : index
    %swap3A_31 = vector.load %arg5[%swap3A_29, %swap3A_30] : memref<10000x16xf32, #tpu.memory_space<vmem>>, vector<10000x16xf32>
    tpu.vector_store %arg5[%swap3A_29, %swap3A_30], %mul3A_28 {strides = array<i32>} : memref<10000x16xf32, #tpu.memory_space<vmem>>, vector<10000x16xf32>,
    return
  }
}

module attributes {stable_mosaic.version = 14 : i64} {
  func.func @_l2_body(%arg0: memref<10000x16xf32, #tpu.memory_space<vmem>>, %arg1: memref<2x10000x16xf32, #tpu.memory_space<vmem>>, %arg2: memref<10000x1xf32, #tpu.memory_space<vmem>>, %arg3: memref<16x64xf32, #tpu.memory_space<vmem>>, %arg4: memref<16x64xf32, #tpu.memory_space<vmem>>, %arg5: memref<64xf32, #tpu.memory_space<vmem>>, %arg6: memref<10000x64xf32, #tpu.memory_space<vmem>>) attributes {dimension_semantics = [], scalar_prefetch = 0 : i64, scratch_operands = 0 : i64, tpu.core_type = #tpu.core_type<tc>} {
    %get3A = arith.constant 0 : index
    %get3A_0 = arith.constant 0 : index
    %get3A_1 = vector.load %arg2[%get3A, %get3A_0] : memref<10000x1xf32, #tpu.memory_space<vmem>>, vector<10000x1xf32>
    %neg3A = arith.constant 0.000000e+00 : f32
    %neg3A_2 = vector.broadcast %neg3A : f32 to vector<10000x1xf32>
    %neg3A_3 = arith.subf %neg3A_2, %get3A_1 : vector<10000x1xf32>
    %get3A_4 = arith.constant 0 : index
    %get3A_5 = arith.constant 0 : index
    %get3A_6 = arith.constant 0 : index
    %get3A_7 = vector.load %arg1[%get3A_4, %get3A_5, %get3A_6] : memref<2x10000x16xf32, #tpu.memory_space<vmem>>, vector<1x10000x16xf32>
    %get3A_8 = vector.shape_cast %get3A_7 : vector<1x10000x16xf32> to vector<10000x16xf32>
    %get3A_9 = arith.constant 1 : index
    %get3A_10 = arith.constant 0 : index
    %get3A_11 = arith.constant 0 : index
    %get3A_12 = vector.load %arg1[%get3A_9, %get3A_10, %get3A_11] : memref<2x10000x16xf32, #tpu.memory_space<vmem>>, vector<1x10000x16xf32>
    %get3A_13 = vector.shape_cast %get3A_12 : vector<1x10000x16xf32> to vector<10000x16xf32>
    %add3A = arith.addf %get3A_8, %get3A_13 : vector<10000x16xf32>
    %mul3A = vector.broadcast %neg3A_3 : vector<10000x1xf32> to vector<10000x16xf32>
    %mul3A_14 = arith.mulf %mul3A, %add3A : vector<10000x16xf32>
    %get3A_15 = arith.constant 0 : index
    %get3A_16 = arith.constant 0 : index
    %get3A_17 = vector.load %arg0[%get3A_15, %get3A_16] : memref<10000x16xf32, #tpu.memory_space<vmem>>, vector<10000x16xf32>
    %get3A_18 = arith.constant 0 : index
    %get3A_19 = arith.constant 0 : index
    %get3A_20 = vector.load %arg3[%get3A_18, %get3A_19] : memref<16x64xf32, #tpu.memory_space<vmem>>, vector<16x64xf32>
    %dot_general3A = arith.constant dense<0.000000e+00> : vector<10000x64xf32>
    %dot_general3A_21 = tpu.matmul %get3A_17, %get3A_20, %dot_general3A {dimension_numbers = #tpu.dot_dimension_numbers<[1], [0], [0], [1], [0, 0, 1, 1], [], []>, transpose_lhs_hint = false} : vector<10000x16xf32>, vector<16x64xf32>, vector<10000x64xf32> -> vector<10000x64xf32>
    %get3A_22 = arith.constant 0 : index
    %get3A_23 = arith.constant 0 : index
    %get3A_24 = vector.load %arg4[%get3A_22, %get3A_23] : memref<16x64xf32, #tpu.memory_space<vmem>>, vector<16x64xf32>
    %dot_general3A_25 = arith.constant dense<0.000000e+00> : vector<10000x64xf32>
    %dot_general3A_26 = tpu.matmul %mul3A_14, %get3A_24, %dot_general3A_25 {dimension_numbers = #tpu.dot_dimension_numbers<[1], [0], [0], [1], [0, 0, 1, 1], [], []>, transpose_lhs_hint = false} : vector<10000x16xf32>, vector<16x64xf32>, vector<10000x64xf32> -> vector<10000x64xf32>
    %add3A_27 = arith.addf %dot_general3A_21, %dot_general3A_26 : vector<10000x64xf32>
    %get3A_28 = arith.constant 0 : index
    %get3A_29 = vector.load %arg5[%get3A_28] : memref<64xf32, #tpu.memory_space<vmem>>, vector<64xf32>
    %broadcast_in_dim3A = vector.shape_cast %get3A_29 : vector<64xf32> to vector<1x64xf32>
    %add3A_30 = vector.broadcast %broadcast_in_dim3A : vector<1x64xf32> to vector<10000x64xf32>
    %add3A_31 = arith.addf %add3A_27, %add3A_30 : vector<10000x64xf32>
    %reduce_max3A = arith.constant dense<0xFF800000> : vector<10000xf32>
    %reduce_max3A_32 = vector.multi_reduction <maximumf>, %add3A_31, %reduce_max3A [1] : vector<10000x64xf32> to vector<10000xf32>
    %broadcast_in_dim3A_33 = vector.shape_cast %reduce_max3A_32 : vector<10000xf32> to vector<10000x1xf32>
    %sub3A = vector.broadcast %broadcast_in_dim3A_33 : vector<10000x1xf32> to vector<10000x64xf32>
    %sub3A_34 = arith.subf %add3A_31, %sub3A : vector<10000x64xf32>
    %exp3A = math.exp %sub3A_34 : vector<10000x64xf32>
    %reduce_sum3A = arith.constant dense<0.000000e+00> : vector<10000xf32>
    %reduce_sum3A_35 = vector.multi_reduction <add>, %exp3A, %reduce_sum3A [1] : vector<10000x64xf32> to vector<10000xf32>
    %broadcast_in_dim3A_36 = vector.shape_cast %reduce_sum3A_35 : vector<10000xf32> to vector<10000x1xf32>
    %log3A = math.log %broadcast_in_dim3A_36 : vector<10000x1xf32>
    %sub3A_37 = vector.broadcast %broadcast_in_dim3A_33 : vector<10000x1xf32> to vector<10000x64xf32>
    %sub3A_38 = arith.subf %add3A_31, %sub3A_37 : vector<10000x64xf32>
    %sub3A_39 = vector.broadcast %log3A : vector<10000x1xf32> to vector<10000x64xf32>
    %sub3A_40 = arith.subf %sub3A_38, %sub3A_39 : vector<10000x64xf32>
    %swap3A = arith.constant 0 : index
    %swap3A_41 = arith.constant 0 : index
    %swap3A_42 = vector.load %arg6[%swap3A, %swap3A_41] : memref<10000x64xf32, #tpu.memory_space<vmem>>, vector<10000x64xf32>
    tpu.vector_store %arg6[%swap3A, %swap3A_41], %sub3A_40 {strides = array<i32>} : memref<10000x64xf32, #tpu.memory_space<vmem>>, vector<10000x64xf32>,
    return
  }
}

</mosaic_0001>

<sc_bundles>
// kernel: kernel.11.cloned.1.call-start
scs
__scs_entry_jumppad:
0x0: {  	(pc) =	sbr.rel $0x88, $3  }
0x1: {  	(tag) =	ssettag $0x0;
	lr =	simm.s32 $0x1  }
0x2: {  	[smem:$0x3F99] =	sst lr;
	_ =	strace $0xD0000000  }
0x3: {  	_ = 	snop  }
0x4: {  	_ = 	snop  }
0x5: {  	_ = 	snop  }
0x6: {  	_ = 	snop  }
0x7: {  	_ = 	snop  }
__scs_overlays_trampoline_lowered:
0x8: {  	[smem:$0x3FA8] =	sst s0  }
0x9: {  	[smem:$0x3FA9] =	sst s1  }
0xa: {  	[smem:$0x3FAA] =	sst s2  }
0xb: {  	[smem:$0x3FAB] =	sst s3  }
0xc: {  	[smem:$0x3FAC] =	sst s4  }
0xd: {  	[smem:$0x3FAD] =	sst s5  }
0xe: {  	[smem:$0x3FAE] =	sst s6  }
0xf: {  	[smem:$0x3FAF] =	sst s7  }
0x10: {  	[smem:$0x3FB0] =	sst s8  }
0x11: {  	[smem:$0x3FB1] =	sst s9;
	s0 =	simm.s32 @!p0 $0x0  }
0x12: {  	s1 =	sld [smem:$0x3F97];
	s0 =	simm.s32 @p0 $0x1  }
0x13: {  	[smem:$0x3FB2] =	sst s0;
	s0 =	simm.s32 @!p1 $0x0  }
0x14: {  	s2 =	sld [smem:$0x3F96];
	s0 =	simm.s32 @p1 $0x1  }
0x15: {  	[smem:$0x3FB3] =	sst s0;
	s0 =	simm.s32 @!p2 $0x0  }
0x16: {  	s3 =	sld [smem:$0x3FDB];
	s0 =	simm.s32 @p2 $0x1  }
0x17: {  	s4 =	simm.s32 $0x1BF5;
	[smem:$0x3FB5] =	sst s0  }
0x18: {  	s0 =	sld [smem:$0x3F98];
	_ =	swait.ge [sflag:s4], $0x0  }
0x19: {  	s7 =	sld [smem:$0x3F99]  }
0x1a: {  	s8 =	sadd.s32 $0xFFFFE003, lr  }
0x1b: {  	s9 =	sadd.s32 $0xFFFFFEF7, lr;
	s5 =	simm.s32 $0xFFFFFFFF;
	p2 =	slt.u32 s8, $0xFFFFF086  }
0x1c: {  	p1 =	slt.u32 s9, $0xF7A;
	s5 =	simm.s32 @!p2 $0x0  }
0x1d: {  	s5 =	simm.s32 @p1 $0x1;
	p0 =	seq.s32 s7, s2  }
0x1e: {  	s7 =	smul.u32 @!p0 $0xF7A, s2;
	p2 =	seq.s32 @!p0 s5, $0x0  }
0x1f: {  	s9 =	smul.u32 $0xF7A, s1;
	s8 =	simm.s32 @!p0 $0x1BF5;
	p2 =	por !p2, p0  }
0x20: {  	[sflag:s8] =	ssyncset.s32 @!p0 $0xFFFFF086;
	s6 =	sadd.s32 @!p0 s3, s7;
	s7 =	simm.s32 @!p0 $0x108  }
0x21: {  	s3 =	sadd.s32 s3, s9;
	s6 =	sadd.s32 @!p0 $0x88, s6;
	s7 =	simm.s32 @p2 $0x1082  }
0x22: {  	[simem:s7], [sflag:s8] =	dma.local @!p0 [hbm:s6], $0xF7A  }
0x23: {  	s9 =	sor.u32 $0xD0000000, s2;
	s6 =	simm.s32 $0x108;
	_ =	swait.ge @!p0 [sflag:s8], $0x0  }
0x24: {  	s3 =	sadd.s32 $0x88, s3;
	s6 =	simm.s32 @!p1 $0x1082;
	[sflag:s4] =	ssyncset.s32 $0xFFFFF086  }
0x25: {  	[simem:s6], [sflag:s4] =	dma.local [hbm:s3], $0xF7A  }
0x26: {  	[smem:$0x3F99] =	sst s1;
	(tag) =	ssettag s2;
	_ =	strace s9  }
0x27: {  	s1 =	sld [smem:$0x3FA9]  }
0x28: {  	s2 =	sld [smem:$0x3FAA]  }
0x29: {  	s4 =	sld [smem:$0x3FAC]  }
0x2a: {  	p0 =	seq.s32 s5, $0x0;
	s5 =	sld [smem:$0x3FAD]  }
0x2b: {  	s6 =	sld [smem:$0x3FAE]  }
0x2c: {  	s7 =	sld [smem:$0x3FAF]  }
0x2d: {  	s3 =	simm.s32 $0x108;
	s8 =	sld [smem:$0x3FB0]  }
0x2e: {  	s3 =	simm.s32 @!p0 $0x1082;
	s9 =	sld [smem:$0x3FB1]  }
0x2f: {  	lr =	sadd.s32 s0, s3;
	s0 =	sld [smem:$0x3FA8]  }
0x30: {  	s3 =	sld [smem:$0x3FAB]  }
0x31: {  	[smem:$0x3FB4] =	sst s10  }
0x32: {  	s10 =	sld [smem:$0x3FB2];
	_ =	sdelay $0x3  }
0x33: {  	p0 =	seq.s32 s10, $0x1;
	s10 =	sld [smem:$0x3FB4];
	_ =	sdelay $0x3  }
0x34: {  	[smem:$0x3FB4] =	sst s10  }
0x35: {  	s10 =	sld [smem:$0x3FB3];
	_ =	sdelay $0x3  }
0x36: {  	p1 =	seq.s32 s10, $0x1;
	s10 =	sld [smem:$0x3FB4];
	_ =	sdelay $0x3  }
0x37: {  	[smem:$0x3FB4] =	sst s10  }
0x38: {  	s10 =	sld [smem:$0x3FB5]  }
0x39: {  	_ = 	snop;
	(pc) =	sbr.ind lr, $3  }
0x3a: {  	_ = 	snop  }
0x3b: {  	_ = 	snop  }
0x3c: {  	p2 =	seq.s32 s10, $0x1;
	s10 =	sld [smem:$0x3FB4]  }
0x3d: {  	_ =	shalt  }
0x3e: {  	_ =	shalt  }
0x3f: {  	_ =	shalt  }
0x40: {  	_ =	shalt  }
0x41: {  	_ =	shalt  }
0x42: {  	_ =	shalt  }
0x43: {  	_ =	shalt  }
0x44: {  	_ =	shalt  }
0x45: {  	_ =	shalt  }
0x46: {  	_ =	shalt  }
0x47: {  	_ =	shalt  }
0x48: {  	_ =	shalt  }
0x49: {  	_ =	shalt  }
0x4a: {  	_ =	shalt  }
0x4b: {  	_ =	shalt  }
0x4c: {  	_ =	shalt  }
0x4d: {  	_ =	shalt  }
0x4e: {  	_ =	shalt  }
0x4f: {  	_ =	shalt  }
0x50: {  	_ =	shalt  }
0x51: {  	_ =	shalt  }
0x52: {  	_ =	shalt  }
0x53: {  	_ =	shalt  }
0x54: {  	_ =	shalt  }
0x55: {  	_ =	shalt  }
0x56: {  	_ =	shalt  }
0x57: {  	_ =	shalt  }
0x58: {  	_ =	shalt  }
0x59: {  	_ =	shalt  }
0x5a: {  	_ =	shalt  }
0x5b: {  	_ =	shalt  }
0x5c: {  	_ =	shalt  }
0x5d: {  	_ =	shalt  }
0x5e: {  	_ =	shalt  }
0x5f: {  	_ =	shalt  }
0x60: {  	_ =	shalt  }
0x61: {  	_ =	shalt  }
0x62: {  	_ =	shalt  }
0x63: {  	_ =	shalt  }
0x64: {  	_ =	shalt  }
0x65: {  	_ =	shalt  }
0x66: {  	_ =	shalt  }
0x67: {  	_ =	shalt  }
0x68: {  	_ =	shalt  }
0x69: {  	_ =	shalt  }
0x6a: {  	_ =	shalt  }
0x6b: {  	_ =	shalt  }
0x6c: {  	_ =	shalt  }
0x6d: {  	_ =	shalt  }
0x6e: {  	_ =	shalt  }
0x6f: {  	_ =	shalt  }
0x70: {  	_ =	shalt  }
0x71: {  	_ =	shalt  }
0x72: {  	_ =	shalt  }
0x73: {  	_ =	shalt  }
0x74: {  	_ =	shalt  }
0x75: {  	_ =	shalt  }
0x76: {  	_ =	shalt  }
0x77: {  	_ =	shalt  }
0x78: {  	_ =	shalt  }
0x79: {  	_ =	shalt  }
0x7a: {  	_ =	shalt  }
0x7b: {  	_ =	shalt  }
0x7c: {  	_ =	shalt  }
0x7d: {  	_ =	shalt  }
0x7e: {  	_ =	shalt  }
0x7f: {  	_ =	shalt  }
0x80: {  	_ =	shalt  }
0x81: {  	_ =	shalt  }
0x82: {  	_ =	shalt  }
0x83: {  	_ =	shalt  }
0x84: {  	_ =	shalt  }
0x85: {  	_ =	shalt  }
0x86: {  	_ =	shalt  }
0x87: {  	_ =	shalt  }
.Lfunc_end0:
.L_simem_size_0:
called_computation.1_lowered:
.L_overlay_start_0:
0x88: {  	s2 =	sld [smem:$0x3FD9]  }
0x89: {  	s3 =	sld [smem:$0x3FFE];
	_ =	sdelay $0x1  }
0x8a: {  	s1 =	srdreg.scid  }
0x8b: {  	s0 =	sand.u32 $0x1, s1  }
0x8c: {  	s17 =	sshll.u32 s0, $0xA;
	s2 =	sadd.s32 s3, s2  }
0x8d: {  	s2 =	sadd.s32 s2, s17  }
0x8e: {  	[smem:$0x3FC0] =	sst s2  }
0x8f: {  	_ = 	snop  }
0x90: {  	s2 =	sld [smem:$0x3FD0];
	(tm) =	ssettm $0x1  }
0x91: {  	s18 =	sld [smem:$0x3FFB];
	_ =	sdelay $0x3  }
0x92: {  	_ =	strace s18  }
0x93: {  	s3 =	sld [smem:$0x3FFC];
	_ =	sdelay $0x3  }
0x94: {  	_ =	strace s3  }
0x95: {  	s3 =	sld [smem:$0x3FFD];
	_ =	sdelay $0x3  }
0x96: {  	_ =	strace s3  }
0x97: {  	_ =	strace $0x8FFFFFFF  }
0x98: {  	s19 =	sld [smem:$0x3FDB];
	_ =	sdelay $0x1  }
0x99: {  	s4 =	simm.s32 $_scs_section_size  }
0x9a: {  	s5 =	simm.s32 $_size__tile_overlayer_lowered;
	s6 =	simm.s32 $_tile_overlayer_lowered  }
0x9b: {  	s22 =	simm.s32 $0x1BFF;
	s21 =	sshll.u32 s6, $0x1;
	s3 =	sadd.s32 s4, s19  }
0x9c: {  	s7 =	simm.s32 $0x0;
	s20 =	sshll.u32 s5, $0x1;
	s5 =	sadd.s32 s21, s3  }
0x9d: {  	[timem:s7], [sflag:s22] =	dma.local [hbm:s5], s20  }
0x9e: {  	_ =	swait.ge [sflag:s22], s20  }
0x9f: {  	s4 =	ssub.s32 $0x0, s20;
	[sflag:s22] =	ssyncset.done $0x0  }
0xa0: {  	[sflag:s22] =	ssyncadd.s32 s4;
	_ =	sdelay $0x1  }
0xa1: {  	s23 =	simm.s32 $0x1B8B  }
0xa2: {  	_ =	swait.ge [sflag:s23], $0x1  }
0xa3: {  	[sflag:s23] =	ssyncset.done $0x0  }
0xa4: {  	s25 =	simm.s32 $0x1B8E;
	s24 =	sld [smem:$0x3FFE];
	[sflag:s23] =	ssyncadd.s32 $0xFFFFFFFF  }
0xa5: {  	s26 =	simm.s32 $execute0_lowered;
	[smem:$0x3FD2] =	sst s25  }
0xa6: {  	s5 =	sshll.u32 s26, $0x1;
	_ =	strace $0x80000049;
	[dreg:$0x1] =	wrdreg $0xFFFFFFFF  }
0xa7: {  	s28 =	simm.s32 $_size_execute0_lowered;
	s3 =	sadd.s32 s3, s5;
	[dreg:$0x0] =	wrdreg $0x0  }
0xa8: {  	s5 =	sshll.u32 s28, $0x1;
	[dreg:$0x2] =	wrdreg s3  }
0xa9: {  	[dreg:$0x3] =	wrdreg s5  }
0xaa: {  	[dreg:$0x4] =	wrdreg $0xC0  }
0xab: {  	_ =	task [dreg:s7], $0x5FFFF  }
0xac: {  	[dreg:$0x1] =	wrdreg $0xFFFFFFFF  }
0xad: {  	[dreg:$0x0] =	wrdreg $0x60  }
0xae: {  	[dreg:$0x2] =	wrdreg s24  }
0xaf: {  	[dreg:$0x3] =	wrdreg s2  }
0xb0: {  	[dreg:$0x4] =	wrdreg $0x62200  }
0xb1: {  	[dreg:$0x5] =	wrdreg $0x9  }
0xb2: {  	_ =	task.clear_ibuf [dreg:s7], $0x6FFFF;
	_ =	strace $0x90000049  }
0xb3: {  	s29 =	simm.s32 $0x9;
	_ =	strace $0x8000004B  }
0xb4: {  	_ =	swait.ge [sflag:s29], $0x1  }
0xb5: {  	[sflag:s29] =	ssyncadd.s32 $0xFFFFFFFF  }
0xb6: {  	_ =	strace $0x9000004B  }
0xb7: {  	_ =	sfence  }
0xb8: {  	s30 =	sld [smem:$0x0];
	_ =	sdelay $0x2  }
0xb9: {  	s31 =	sshll.u32 s1, $0xD;
	s1 =	sshrl.u32 s1, $0x2  }
0xba: {  	s3 =	sand.u32 $0x4000, s31;
	s1 =	sadd.s32 s1, s30  }
0xbb: {  	s0 =	sor.u32 s3, s0;
	s1 =	sshll.u32 s1, $0x11  }
0xbc: {  	s0 =	sor.u32 s1, s0  }
0xbd: {  	s0 =	sadd.s32 $0x8F2B, s0  }
0xbe: {  	[sflag:s0] =	ssyncadd.remote.s32 $0x1  }
0xbf: {  	_ =	sfence.sel $0xFFFF  }
0xc0: {  	[dreg:$0x0] =	wrdreg $0xFFFFFFFF;
	(pc) =	sbr.abs _section_cstart, $3  }
0xc1: {  	[dreg:$0x1] =	wrdreg $0xFFFFFFFF  }
0xc2: {  	_ =	task.clear_ibuf [dreg:s7], $0x2FFFF;
	_ =	strace $0x9FFFFFFF  }
0xc3: {  	(tm) =	ssettm $0x7FFFFFFF  }
tec
execute0_lowered:
.L_overlay_start_1:
0x0: {  	(tag) =	ssettag $0x1  }
0x1: {  	s1 =	rddreg [dreg:$0x0]  }
0x2: {  	s0 =	srdreg.scid;
	s7 =	rddreg [dreg:$0x1]  }
0x3: {  	s23 =	stileid.u32;
	s2 =	rddreg [dreg:$0x2];
	s3 =	simm.s32 $0x0  }
0x4: {  	s12 =	simm.s32 $0x2710;
	s13 =	simm.s32 $0x50;
	s14 =	simm.s32 $0x4E20  }
0x5: {  	s16 =	simm.s32 $0x5320;
	s18 =	simm.s32 $0x5820;
	s19 =	simm.s32 $0x1  }
0x6: {  	s20 =	simm.s32 $0x5D20;
	s21 =	simm.s32 $0x2;
	s22 =	simm.s32 $0x3  }
0x7: {  	s26 =	simm.s32 $0x4;
	s31 =	simm.s32 $0x4DD0;
	s0 =	sand.u32 $0x1, s0  }
0x8: {  	s4 =	smul.u32 $0x2710, s23;
	[smem:$0x7FF] =	sst s3;
	s5 =	sadd.s32 $0x10200, s1  }
0x9: {  	s11 =	smul.u32 $0x2700, s23;
	s17 =	sadd.s32 $0x24900, s2;
	p0 =	sne.s32 s23, $0x0  }
0xa: {  	p1 =	seq.s32 s23, $0xF;
	s6 =	smul.u32 $0x27100, s0;
	_ =	strace $0x8000004A  }
0xb: {  	s0 =	ssub.s32 $0x2, s0;
	s23 =	sshrl.u32 @p1 s17, $0x3;
	s17 =	simm.s32 $0x0  }
0xc: {  	s10 =	sshrl.u32 s0, $0x1;
	s15 =	sadd.s32 s11, s2;
	s4 =	sadd.s32 s4, s6  }
0xd: {  	s6 =	sshrl.u32 s6, $0x3;
	s0 =	ssub.s32 s0, s10;
	s10 =	sshrl.u32 @!p0 s2, $0x3  }
0xe: {  	s25 =	sshrl.u32 @!p1 s15, $0x3;
	s15 =	simm.s32 $0x26C0;
	s8 =	sshrl.u32 s4, $0x3  }
0xf: {  	s4 =	sadd.s32 $0xB200, s1;
	s9 =	sadd.s32 s8, s1;
	s1 =	sadd.s32 s6, s1  }
0x10: {  	s7 =	sadd.s32 s7, s8;
	s6 =	sadd.s32 $0x1400, s9;
	s8 =	sadd.s32 $0x15200, s1  }
0x11: {  	s1 =	sshrl.u32 s11, $0x3;
	s9 =	smax.u32 s0, $0x1;
	s11 =	simm.s32 $0x5  }
0x12: {  	s0 =	simm.s32 $0x2620;
	s24 =	sadd.s32 @!p1 s1, s8;
	s1 =	simm.s32 $0x2670  }
.LBB2_1:
0x13: {  	s28 =	simm.s32 @!p0 $0x1C05  }
0x14: {  	[spmem:s10], [sflag:s28] =	dma.local @!p0 [hbm:s5], $0x4E40  }
0x15: {  	s28 =	simm.s32 @!p0 $0x5  }
0x16: {  	_ =	swait.ge @!p0 [sflag:s28], $0x4E40  }
0x17: {  	[sflag:s28] =	ssyncset.done @!p0 $0x0  }
0x18: {  	[sflag:s28] =	ssyncadd.s32 @!p0 $0xFFFFB1C0  }
0x19: {  	[tilespmem:s3], [sflag:$0x5] =	stream.linear.gather [hbm4b:s6+s3], $0x2710, $0x38;
	[tilespmem:$0x8940] =	vst v63  }
0x1a: {  	_ =	swait.ge [sflag:s11], $0x2710  }
0x1b: {  	[sflag:s11] =	ssyncset.done $0x0  }
0x1c: {  	[sflag:s11] =	ssyncadd.s32 $0xFFFFD8F0  }
0x1d: {  	[tilespmem:s12], [sflag:$0x5] =	stream.linear.gather [hbm4b:s7+s3], $0x2710, $0x38;
	[tilespmem:$0x8940] =	vst v63  }
0x1e: {  	_ =	swait.ge [sflag:s11], $0x2710  }
0x1f: {  	[sflag:s11] =	ssyncset.done $0x0  }
0x20: {  	[sflag:s11] =	ssyncadd.s32 $0xFFFFD8F0  }
0x21: {  	[bflag:$0x0] =	sbarrier.arrive $0xFFFF  }
0x22: {  	[tilespmem:s14], [sflag:$0x1] =	stream.indirect.gather [hbm4b:s4+s13], $0x10, s12, s13, $0xb8;
	[tilespmem:$0x8940] =	vst v63  }
0x23: {  	s28 =	simm.s32 $0x2760  }
0x24: {  	[tilespmem:s16], [sflag:$0x2] =	stream.indirect.gather [hbm4b:s4+s13], $0x10, s28, s13, $0xb8;
	[tilespmem:$0x8940] =	vst v63  }
0x25: {  	s28 =	simm.s32 $0x27B0  }
0x26: {  	[tilespmem:s18], [sflag:$0x3] =	stream.indirect.gather [hbm4b:s4+s13], $0x10, s28, s13, $0xb8;
	[tilespmem:$0x8940] =	vst v63  }
0x27: {  	_ =	swait.ge [sflag:s19], $0x500  }
0x28: {  	[sflag:s19] =	ssyncset.done $0x0  }
0x29: {  	s28 =	simm.s32 $0x0;
	[sflag:s19] =	ssyncadd.s32 $0xFFFFFB00  }
0x2a: {  	[spmem:s2] =	stream.indirect.scatter.add.f32 [tilespmem:s14], [sflag:$0x5], $0x10, s28, s13, $0xb8;
	[tilespmem:$0x8940] =	vst v63  }
0x2b: {  	_ =	swait.ge [sflag:s11], $0x500  }
0x2c: {  	[sflag:s11] =	ssyncset.done $0x0  }
0x2d: {  	s28 =	simm.s32 $0x2800;
	[sflag:s11] =	ssyncadd.s32 $0xFFFFFB00  }
0x2e: {  	[tilespmem:s20], [sflag:$0x4] =	stream.indirect.gather [hbm4b:s4+s13], $0x10, s28, s13, $0xb8;
	[tilespmem:$0x8940] =	vst v63  }
0x2f: {  	_ =	swait.ge [sflag:s21], $0x500  }
0x30: {  	[sflag:s21] =	ssyncset.done $0x0  }
0x31: {  	s28 =	simm.s32 $0x50;
	[sflag:s21] =	ssyncadd.s32 $0xFFFFFB00  }
0x32: {  	[spmem:s2] =	stream.indirect.scatter.add.f32 [tilespmem:s16], [sflag:$0x5], $0x10, s28, s13, $0xb8;
	[tilespmem:$0x8940] =	vst v63  }
0x33: {  	_ =	swait.ge [sflag:s11], $0x500  }
0x34: {  	[sflag:s11] =	ssyncset.done $0x0  }
0x35: {  	s28 =	simm.s32 $0x2850;
	[sflag:s11] =	ssyncadd.s32 $0xFFFFFB00  }
0x36: {  	[tilespmem:s14], [sflag:$0x1] =	stream.indirect.gather [hbm4b:s4+s13], $0x10, s28, s13, $0xb8;
	[tilespmem:$0x8940] =	vst v63  }
0x37: {  	_ =	swait.ge [sflag:s22], $0x500  }
0x38: {  	[sflag:s22] =	ssyncset.done $0x0  }
0x39: {  	s28 =	simm.s32 $0xA0;
	[sflag:s22] =	ssyncadd.s32 $0xFFFFFB00  }
0x3a: {  	[spmem:s2] =	stream.indirect.scatter.add.f32 [tilespmem:s18], [sflag:$0x5], $0x10, s28, s13, $0xb8;
	[tilespmem:$0x8940] =	vst v63  }
0x3b: {  	_ =	swait.ge [sflag:s11], $0x500  }
0x3c: {  	[sflag:s11] =	ssyncset.done $0x0  }
0x3d: {  	s28 =	simm.s32 $0x28A0;
	[sflag:s11] =	ssyncadd.s32 $0xFFFFFB00  }
0x3e: {  	[tilespmem:s16], [sflag:$0x2] =	stream.indirect.gather [hbm4b:s4+s13], $0x10, s28, s13, $0xb8;
	[tilespmem:$0x8940] =	vst v63  }
0x3f: {  	_ =	swait.ge [sflag:s26], $0x500  }
0x40: {  	[sflag:s26] =	ssyncset.done $0x0  }
0x41: {  	s28 =	simm.s32 $0xF0;
	[sflag:s26] =	ssyncadd.s32 $0xFFFFFB00  }
0x42: {  	[spmem:s2] =	stream.indirect.scatter.add.f32 [tilespmem:s20], [sflag:$0x5], $0x10, s28, s13, $0xb8;
	[tilespmem:$0x8940] =	vst v63  }
0x43: {  	_ =	swait.ge [sflag:s11], $0x500  }
0x44: {  	[sflag:s11] =	ssyncset.done $0x0  }
0x45: {  	s29 =	simm.s32 $0x28F0;
	s28 =	simm.s32 $0x500;
	[sflag:s11] =	ssyncadd.s32 $0xFFFFFB00  }
.LBB2_2:
0x46: {  	[tilespmem:s18], [sflag:$0x3] =	stream.indirect.gather [hbm4b:s4+s13], $0x10, s29, s13, $0xb8;
	[tilespmem:$0x8940] =	vst v63  }
0x47: {  	s29 =	smov.u32 s28  }
0x48: {  	p2 =	sne.s32 s28, $0x9100;
	s28 =	sadd.s32 $0x500, s28;
	_ =	swait.ge [sflag:s19], $0x500  }
0x49: {  	[sflag:s19] =	ssyncset.done $0x0  }
0x4a: {  	s29 =	sshra.s32 s29, $0x2;
	[sflag:s19] =	ssyncadd.s32 $0xFFFFFB00  }
0x4b: {  	[spmem:s2] =	stream.indirect.scatter.add.f32 [tilespmem:s14], [sflag:$0x5], $0x10, s29, s13, $0xb8;
	[tilespmem:$0x8940] =	vst v63  }
0x4c: {  	_ =	swait.ge [sflag:s11], $0x500  }
0x4d: {  	[sflag:s11] =	ssyncset.done $0x0  }
0x4e: {  	s30 =	sadd.s32 $0x2800, s29;
	[sflag:s11] =	ssyncadd.s32 $0xFFFFFB00  }
0x4f: {  	[tilespmem:s20], [sflag:$0x4] =	stream.indirect.gather [hbm4b:s4+s13], $0x10, s30, s13, $0xb8;
	[tilespmem:$0x8940] =	vst v63  }
0x50: {  	_ =	swait.ge [sflag:s21], $0x500  }
0x51: {  	[sflag:s21] =	ssyncset.done $0x0  }
0x52: {  	s30 =	sadd.s32 $0x50, s29;
	[sflag:s21] =	ssyncadd.s32 $0xFFFFFB00  }
0x53: {  	[spmem:s2] =	stream.indirect.scatter.add.f32 [tilespmem:s16], [sflag:$0x5], $0x10, s30, s13, $0xb8;
	[tilespmem:$0x8940] =	vst v63  }
0x54: {  	_ =	swait.ge [sflag:s11], $0x500  }
0x55: {  	[sflag:s11] =	ssyncset.done $0x0  }
0x56: {  	s30 =	sadd.s32 $0x2850, s29;
	[sflag:s11] =	ssyncadd.s32 $0xFFFFFB00  }
0x57: {  	[tilespmem:s14], [sflag:$0x1] =	stream.indirect.gather [hbm4b:s4+s13], $0x10, s30, s13, $0xb8;
	[tilespmem:$0x8940] =	vst v63  }
0x58: {  	_ =	swait.ge [sflag:s22], $0x500  }
0x59: {  	[sflag:s22] =	ssyncset.done $0x0  }
0x5a: {  	s30 =	sadd.s32 $0xA0, s29;
	[sflag:s22] =	ssyncadd.s32 $0xFFFFFB00  }
0x5b: {  	[spmem:s2] =	stream.indirect.scatter.add.f32 [tilespmem:s18], [sflag:$0x5], $0x10, s30, s13, $0xb8;
	[tilespmem:$0x8940] =	vst v63  }
0x5c: {  	_ =	swait.ge [sflag:s11], $0x500  }
0x5d: {  	[sflag:s11] =	ssyncset.done $0x0  }
0x5e: {  	s30 =	sadd.s32 $0x28A0, s29;
	[sflag:s11] =	ssyncadd.s32 $0xFFFFFB00  }
0x5f: {  	[tilespmem:s16], [sflag:$0x2] =	stream.indirect.gather [hbm4b:s4+s13], $0x10, s30, s13, $0xb8;
	[tilespmem:$0x8940] =	vst v63  }
0x60: {  	_ =	swait.ge [sflag:s26], $0x500  }
0x61: {  	[sflag:s26] =	ssyncset.done $0x0  }
.Ltmp0:
0x62: {  	s30 =	sadd.s32 $0xF0, s29;
	[sflag:s26] =	ssyncadd.s32 $0xFFFFFB00;
	(pc) =	sbr.rel @p2 .LBB2_2-.Ltmp0, $4  }
0x63: {  	[spmem:s2] =	stream.indirect.scatter.add.f32 [tilespmem:s20], [sflag:$0x5], $0x10, s30, s13, $0xb8;
	[tilespmem:$0x8940] =	vst v63  }
0x64: {  	_ =	swait.ge [sflag:s11], $0x500  }
0x65: {  	[sflag:s11] =	ssyncset.done $0x0  }
0x66: {  	s29 =	sadd.s32 $0x28F0, s29;
	[sflag:s11] =	ssyncadd.s32 $0xFFFFFB00  }
0x67: {  	[tilespmem:s18], [sflag:$0x3] =	stream.indirect.gather [hbm4b:s4+s13], $0x10, s29, s13, $0xb8;
	[tilespmem:$0x8940] =	vst v63  }
0x68: {  	_ =	swait.ge [sflag:s19], $0x500  }
0x69: {  	[sflag:s19] =	ssyncset.done $0x0  }
0x6a: {  	s28 =	simm.s32 $0x2580;
	[sflag:s19] =	ssyncadd.s32 $0xFFFFFB00  }
0x6b: {  	[spmem:s2] =	stream.indirect.scatter.add.f32 [tilespmem:s14], [sflag:$0x5], $0x10, s28, s13, $0xb8;
	[tilespmem:$0x8940] =	vst v63  }
0x6c: {  	_ =	swait.ge [sflag:s11], $0x500  }
0x6d: {  	[sflag:s11] =	ssyncset.done $0x0  }
0x6e: {  	s29 =	simm.s32 $0x4D80;
	[sflag:s11] =	ssyncadd.s32 $0xFFFFFB00  }
0x6f: {  	[tilespmem:s20], [sflag:$0x4] =	stream.indirect.gather [hbm4b:s4+s13], $0x10, s29, s13, $0xb8;
	[tilespmem:$0x8940] =	vst v63  }
0x70: {  	_ =	swait.ge [sflag:s21], $0x500  }
0x71: {  	[sflag:s21] =	ssyncset.done $0x0  }
0x72: {  	s30 =	simm.s32 $0x25D0;
	[sflag:s21] =	ssyncadd.s32 $0xFFFFFB00  }
0x73: {  	[spmem:s2] =	stream.indirect.scatter.add.f32 [tilespmem:s16], [sflag:$0x5], $0x10, s30, s13, $0xb8;
	[tilespmem:$0x8940] =	vst v63  }
0x74: {  	_ =	swait.ge [sflag:s11], $0x500  }
0x75: {  	[sflag:s11] =	ssyncset.done $0x0  }
0x76: {  	[sflag:s11] =	ssyncadd.s32 $0xFFFFFB00  }
0x77: {  	[tilespmem:s14], [sflag:$0x1] =	stream.indirect.gather [hbm4b:s4+s13], $0x10, s31, s13, $0xb8;
	[tilespmem:$0x8940] =	vst v63  }
0x78: {  	_ =	swait.ge [sflag:s22], $0x500  }
0x79: {  	[sflag:s22] =	ssyncset.done $0x0  }
0x7a: {  	[sflag:s22] =	ssyncadd.s32 $0xFFFFFB00  }
0x7b: {  	[spmem:s2] =	stream.indirect.scatter.add.f32 [tilespmem:s18], [sflag:$0x5], $0x10, s0, s13, $0xb8;
	[tilespmem:$0x8940] =	vst v63  }
0x7c: {  	_ =	swait.ge [sflag:s11], $0x500  }
0x7d: {  	[sflag:s11] =	ssyncset.done $0x0  }
0x7e: {  	[sflag:s11] =	ssyncadd.s32 $0xFFFFFB00  }
0x7f: {  	_ =	swait.ge [sflag:s26], $0x500  }
0x80: {  	[sflag:s26] =	ssyncset.done $0x0  }
0x81: {  	[sflag:s26] =	ssyncadd.s32 $0xFFFFFB00  }
0x82: {  	[spmem:s2] =	stream.indirect.scatter.add.f32 [tilespmem:s20], [sflag:$0x5], $0x10, s1, s13, $0xb8;
	[tilespmem:$0x8940] =	vst v63  }
0x83: {  	_ =	swait.ge [sflag:s11], $0x500  }
0x84: {  	[sflag:s11] =	ssyncset.done $0x0  }
0x85: {  	[sflag:s11] =	ssyncadd.s32 $0xFFFFFB00  }
0x86: {  	_ =	swait.ge [sflag:s19], $0x500  }
0x87: {  	[sflag:s19] =	ssyncset.done $0x0  }
0x88: {  	[sflag:s19] =	ssyncadd.s32 $0xFFFFFB00  }
0x89: {  	[spmem:s2] =	stream.indirect.scatter.add.f32 [tilespmem:s14], [sflag:$0x5], $0x10, s15, s13, $0xb8;
	[tilespmem:$0x8940] =	vst v63  }
0x8a: {  	_ =	swait.ge [sflag:s11], $0x500  }
0x8b: {  	[sflag:s11] =	ssyncset.done $0x0  }
0x8c: {  	[sflag:s11] =	ssyncadd.s32 $0xFFFFFB00  }
0x8d: {  	s28 =	sadd.s32 @p1 $0x4920, s8;
	s29 =	simm.s32 @p1 $0x1FC5;
	[bflag:$0x0] =	sbarrier.arrive $0xFFFF  }
0x8e: {  	[hbm:s28], [sflag:s29] =	dma.local @p1 [spmem:s23], $0x500  }
0x8f: {  	s28 =	simm.s32 @p1 $0x5  }
0x90: {  	s29 =	stileid.u32;
	_ =	swait.ge @p1 [sflag:s28], $0x500  }
0x91: {  	s17 =	sadd.s32 $0x1, s17;
	s29 =	sshll.u32 @!p1 s29, $0x6;
	[sflag:s28] =	ssyncset.done @p1 $0x0  }
0x92: {  	p2 =	sne.s32 s17, s9;
	[sflag:s28] =	ssyncadd.s32 @p1 $0xFFFFFB00;
	s28 =	sor.u32 @!p1 $0x1C05, s29  }
0x93: {  	[hbm:s24], [sflag:s28] =	dma.local @!p1 [spmem:s25], $0x4E0  }
.Ltmp1:
0x94: {  	_ = 	snop;
	(pc) =	sbr.rel @p2 .LBB2_1-.Ltmp1, $4  }
0x95: {  	s28 =	simm.s32 @!p1 $0x5  }
0x96: {  	_ =	swait.ge @!p1 [sflag:s28], $0x4E0  }
0x97: {  	[sflag:s28] =	ssyncset.done @!p1 $0x0  }
0x98: {  	[sflag:s28] =	ssyncadd.s32 @!p1 $0xFFFFFB20  }
0x99: {  	_ =	sfence.sel $0x180000  }
0x9a: {  	[bflag:$0x0] =	sbarrier.arrive $0xFFFF  }
0x9b: {  	_ =	strace $0x9000004A  }
0x9c: {  	[bflag:$0x2] =	sbarrier.arrive $0xFFFF  }
0x9d: {  	s0 =	rddreg [dreg:$0x3]  }
0x9e: {  	s0 =	sadd.s32 @!p0 $0x100000, s0  }
0x9f: {  	[sflag:s0] =	ssyncadd.tile.s32 @!p0 $0x1;
	_ =	shalt  }
.Lfunc_end2:
_tile_overlayer_lowered:
.L_overlay_start_2:
0xa0: {  	(tag) =	ssettag $0x2  }
0xa1: {  	s0 =	rddreg [dreg:$0x0];
	s2 =	stileid.u32  }
0xa2: {  	s1 =	rddreg [dreg:$0x1];
	p0 =	sne.s32 s2, $0x0  }
0xa3: {  	s3 =	rddreg [dreg:$0x2];
	[bflag:$0x3] =	sbarrier.arrive $0xFFFF;
	s2 =	simm.s32 @!p0 $0x1C05  }
0xa4: {  	[timem:s3], [sflag:s2] =	dma.local @!p0 [hbm:s0], s1  }
0xa5: {  	s0 =	simm.s32 @!p0 $0x5  }
0xa6: {  	_ =	swait.ge @!p0 [sflag:s0], s1  }
0xa7: {  	s1 =	ssub.s32 @!p0 $0x0, s1;
	[sflag:s0] =	ssyncset.done @!p0 $0x0  }
0xa8: {  	[sflag:s0] =	ssyncadd.s32 @!p0 s1  }
0xa9: {  	[bflag:$0x3] =	sbarrier.arrive $0xFFFF  }
0xaa: {  	_ =	shalt  }

// kernel: kernel.14.cloned.1.call-start
scs
__scs_entry_jumppad:
0x0: {  	(pc) =	sbr.rel $0x88, $3  }
0x1: {  	(tag) =	ssettag $0x0;
	lr =	simm.s32 $0x1  }
0x2: {  	[smem:$0x3F99] =	sst lr;
	_ =	strace $0xD0000000  }
0x3: {  	_ = 	snop  }
0x4: {  	_ = 	snop  }
0x5: {  	_ = 	snop  }
0x6: {  	_ = 	snop  }
0x7: {  	_ = 	snop  }
__scs_overlays_trampoline_lowered:
0x8: {  	[smem:$0x3FA8] =	sst s0  }
0x9: {  	[smem:$0x3FA9] =	sst s1  }
0xa: {  	[smem:$0x3FAA] =	sst s2  }
0xb: {  	[smem:$0x3FAB] =	sst s3  }
0xc: {  	[smem:$0x3FAC] =	sst s4  }
0xd: {  	[smem:$0x3FAD] =	sst s5  }
0xe: {  	[smem:$0x3FAE] =	sst s6  }
0xf: {  	[smem:$0x3FAF] =	sst s7  }
0x10: {  	[smem:$0x3FB0] =	sst s8  }
0x11: {  	[smem:$0x3FB1] =	sst s9;
	s0 =	simm.s32 @!p0 $0x0  }
0x12: {  	s1 =	sld [smem:$0x3F97];
	s0 =	simm.s32 @p0 $0x1  }
0x13: {  	[smem:$0x3FB2] =	sst s0;
	s0 =	simm.s32 @!p1 $0x0  }
0x14: {  	s2 =	sld [smem:$0x3F96];
	s0 =	simm.s32 @p1 $0x1  }
0x15: {  	[smem:$0x3FB3] =	sst s0;
	s0 =	simm.s32 @!p2 $0x0  }
0x16: {  	s3 =	sld [smem:$0x3FDB];
	s0 =	simm.s32 @p2 $0x1  }
0x17: {  	s4 =	simm.s32 $0x1BF5;
	[smem:$0x3FB5] =	sst s0  }
0x18: {  	s0 =	sld [smem:$0x3F98];
	_ =	swait.ge [sflag:s4], $0x0  }
0x19: {  	s7 =	sld [smem:$0x3F99]  }
0x1a: {  	s8 =	sadd.s32 $0xFFFFE003, lr  }
0x1b: {  	s9 =	sadd.s32 $0xFFFFFEF7, lr;
	s5 =	simm.s32 $0xFFFFFFFF;
	p2 =	slt.u32 s8, $0xFFFFF086  }
0x1c: {  	p1 =	slt.u32 s9, $0xF7A;
	s5 =	simm.s32 @!p2 $0x0  }
0x1d: {  	s5 =	simm.s32 @p1 $0x1;
	p0 =	seq.s32 s7, s2  }
0x1e: {  	s7 =	smul.u32 @!p0 $0xF7A, s2;
	p2 =	seq.s32 @!p0 s5, $0x0  }
0x1f: {  	s9 =	smul.u32 $0xF7A, s1;
	s8 =	simm.s32 @!p0 $0x1BF5;
	p2 =	por !p2, p0  }
0x20: {  	[sflag:s8] =	ssyncset.s32 @!p0 $0xFFFFF086;
	s6 =	sadd.s32 @!p0 s3, s7;
	s7 =	simm.s32 @!p0 $0x108  }
0x21: {  	s3 =	sadd.s32 s3, s9;
	s6 =	sadd.s32 @!p0 $0x88, s6;
	s7 =	simm.s32 @p2 $0x1082  }
0x22: {  	[simem:s7], [sflag:s8] =	dma.local @!p0 [hbm:s6], $0xF7A  }
0x23: {  	s9 =	sor.u32 $0xD0000000, s2;
	s6 =	simm.s32 $0x108;
	_ =	swait.ge @!p0 [sflag:s8], $0x0  }
0x24: {  	s3 =	sadd.s32 $0x88, s3;
	s6 =	simm.s32 @!p1 $0x1082;
	[sflag:s4] =	ssyncset.s32 $0xFFFFF086  }
0x25: {  	[simem:s6], [sflag:s4] =	dma.local [hbm:s3], $0xF7A  }
0x26: {  	[smem:$0x3F99] =	sst s1;
	(tag) =	ssettag s2;
	_ =	strace s9  }
0x27: {  	s1 =	sld [smem:$0x3FA9]  }
0x28: {  	s2 =	sld [smem:$0x3FAA]  }
0x29: {  	s4 =	sld [smem:$0x3FAC]  }
0x2a: {  	p0 =	seq.s32 s5, $0x0;
	s5 =	sld [smem:$0x3FAD]  }
0x2b: {  	s6 =	sld [smem:$0x3FAE]  }
0x2c: {  	s7 =	sld [smem:$0x3FAF]  }
0x2d: {  	s3 =	simm.s32 $0x108;
	s8 =	sld [smem:$0x3FB0]  }
0x2e: {  	s3 =	simm.s32 @!p0 $0x1082;
	s9 =	sld [smem:$0x3FB1]  }
0x2f: {  	lr =	sadd.s32 s0, s3;
	s0 =	sld [smem:$0x3FA8]  }
0x30: {  	s3 =	sld [smem:$0x3FAB]  }
0x31: {  	[smem:$0x3FB4] =	sst s10  }
0x32: {  	s10 =	sld [smem:$0x3FB2];
	_ =	sdelay $0x3  }
0x33: {  	p0 =	seq.s32 s10, $0x1;
	s10 =	sld [smem:$0x3FB4];
	_ =	sdelay $0x3  }
0x34: {  	[smem:$0x3FB4] =	sst s10  }
0x35: {  	s10 =	sld [smem:$0x3FB3];
	_ =	sdelay $0x3  }
0x36: {  	p1 =	seq.s32 s10, $0x1;
	s10 =	sld [smem:$0x3FB4];
	_ =	sdelay $0x3  }
0x37: {  	[smem:$0x3FB4] =	sst s10  }
0x38: {  	s10 =	sld [smem:$0x3FB5]  }
0x39: {  	_ = 	snop;
	(pc) =	sbr.ind lr, $3  }
0x3a: {  	_ = 	snop  }
0x3b: {  	_ = 	snop  }
0x3c: {  	p2 =	seq.s32 s10, $0x1;
	s10 =	sld [smem:$0x3FB4]  }
0x3d: {  	_ =	shalt  }
0x3e: {  	_ =	shalt  }
0x3f: {  	_ =	shalt  }
0x40: {  	_ =	shalt  }
0x41: {  	_ =	shalt  }
0x42: {  	_ =	shalt  }
0x43: {  	_ =	shalt  }
0x44: {  	_ =	shalt  }
0x45: {  	_ =	shalt  }
0x46: {  	_ =	shalt  }
0x47: {  	_ =	shalt  }
0x48: {  	_ =	shalt  }
0x49: {  	_ =	shalt  }
0x4a: {  	_ =	shalt  }
0x4b: {  	_ =	shalt  }
0x4c: {  	_ =	shalt  }
0x4d: {  	_ =	shalt  }
0x4e: {  	_ =	shalt  }
0x4f: {  	_ =	shalt  }
0x50: {  	_ =	shalt  }
0x51: {  	_ =	shalt  }
0x52: {  	_ =	shalt  }
0x53: {  	_ =	shalt  }
0x54: {  	_ =	shalt  }
0x55: {  	_ =	shalt  }
0x56: {  	_ =	shalt  }
0x57: {  	_ =	shalt  }
0x58: {  	_ =	shalt  }
0x59: {  	_ =	shalt  }
0x5a: {  	_ =	shalt  }
0x5b: {  	_ =	shalt  }
0x5c: {  	_ =	shalt  }
0x5d: {  	_ =	shalt  }
0x5e: {  	_ =	shalt  }
0x5f: {  	_ =	shalt  }
0x60: {  	_ =	shalt  }
0x61: {  	_ =	shalt  }
0x62: {  	_ =	shalt  }
0x63: {  	_ =	shalt  }
0x64: {  	_ =	shalt  }
0x65: {  	_ =	shalt  }
0x66: {  	_ =	shalt  }
0x67: {  	_ =	shalt  }
0x68: {  	_ =	shalt  }
0x69: {  	_ =	shalt  }
0x6a: {  	_ =	shalt  }
0x6b: {  	_ =	shalt  }
0x6c: {  	_ =	shalt  }
0x6d: {  	_ =	shalt  }
0x6e: {  	_ =	shalt  }
0x6f: {  	_ =	shalt  }
0x70: {  	_ =	shalt  }
0x71: {  	_ =	shalt  }
0x72: {  	_ =	shalt  }
0x73: {  	_ =	shalt  }
0x74: {  	_ =	shalt  }
0x75: {  	_ =	shalt  }
0x76: {  	_ =	shalt  }
0x77: {  	_ =	shalt  }
0x78: {  	_ =	shalt  }
0x79: {  	_ =	shalt  }
0x7a: {  	_ =	shalt  }
0x7b: {  	_ =	shalt  }
0x7c: {  	_ =	shalt  }
0x7d: {  	_ =	shalt  }
0x7e: {  	_ =	shalt  }
0x7f: {  	_ =	shalt  }
0x80: {  	_ =	shalt  }
0x81: {  	_ =	shalt  }
0x82: {  	_ =	shalt  }
0x83: {  	_ =	shalt  }
0x84: {  	_ =	shalt  }
0x85: {  	_ =	shalt  }
0x86: {  	_ =	shalt  }
0x87: {  	_ =	shalt  }
.Lfunc_end0:
.L_simem_size_0:
called_computation.2_lowered:
.L_overlay_start_0:
0x88: {  	s2 =	sld [smem:$0x3FD9]  }
0x89: {  	s3 =	sld [smem:$0x3FFE];
	_ =	sdelay $0x1  }
0x8a: {  	s1 =	srdreg.scid  }
0x8b: {  	s0 =	sand.u32 $0x1, s1  }
0x8c: {  	s17 =	sshll.u32 s0, $0xA;
	s2 =	sadd.s32 s3, s2  }
0x8d: {  	s2 =	sadd.s32 s2, s17  }
0x8e: {  	[smem:$0x3FC0] =	sst s2  }
0x8f: {  	_ = 	snop  }
0x90: {  	s2 =	sld [smem:$0x3FD0];
	(tm) =	ssettm $0x1  }
0x91: {  	s18 =	sld [smem:$0x3FFB];
	_ =	sdelay $0x3  }
0x92: {  	_ =	strace s18  }
0x93: {  	s3 =	sld [smem:$0x3FFC];
	_ =	sdelay $0x3  }
0x94: {  	_ =	strace s3  }
0x95: {  	s3 =	sld [smem:$0x3FFD];
	_ =	sdelay $0x3  }
0x96: {  	_ =	strace s3  }
0x97: {  	_ =	strace $0x8FFFFFFF  }
0x98: {  	s19 =	sld [smem:$0x3FDB];
	_ =	sdelay $0x1  }
0x99: {  	s4 =	simm.s32 $_scs_section_size  }
0x9a: {  	s5 =	simm.s32 $_size__tile_overlayer_lowered;
	s6 =	simm.s32 $_tile_overlayer_lowered  }
0x9b: {  	s22 =	simm.s32 $0x1BFF;
	s21 =	sshll.u32 s6, $0x1;
	s3 =	sadd.s32 s4, s19  }
0x9c: {  	s7 =	simm.s32 $0x0;
	s20 =	sshll.u32 s5, $0x1;
	s5 =	sadd.s32 s21, s3  }
0x9d: {  	[timem:s7], [sflag:s22] =	dma.local [hbm:s5], s20  }
0x9e: {  	_ =	swait.ge [sflag:s22], s20  }
0x9f: {  	s4 =	ssub.s32 $0x0, s20;
	[sflag:s22] =	ssyncset.done $0x0  }
0xa0: {  	[sflag:s22] =	ssyncadd.s32 s4;
	_ =	sdelay $0x1  }
0xa1: {  	s23 =	simm.s32 $0x1B8B  }
0xa2: {  	_ =	swait.ge [sflag:s23], $0x1  }
0xa3: {  	[sflag:s23] =	ssyncset.done $0x0  }
0xa4: {  	s25 =	simm.s32 $0x1B8E;
	s24 =	sld [smem:$0x3FFE];
	[sflag:s23] =	ssyncadd.s32 $0xFFFFFFFF  }
0xa5: {  	s26 =	simm.s32 $execute0_lowered;
	[smem:$0x3FD2] =	sst s25  }
0xa6: {  	s5 =	sshll.u32 s26, $0x1;
	_ =	strace $0x8000004C;
	[dreg:$0x1] =	wrdreg $0xFFFFFFFF  }
0xa7: {  	s28 =	simm.s32 $_size_execute0_lowered;
	s3 =	sadd.s32 s3, s5;
	[dreg:$0x0] =	wrdreg $0x0  }
0xa8: {  	s5 =	sshll.u32 s28, $0x1;
	[dreg:$0x2] =	wrdreg s3  }
0xa9: {  	[dreg:$0x3] =	wrdreg s5  }
0xaa: {  	[dreg:$0x4] =	wrdreg $0xC0  }
0xab: {  	_ =	task [dreg:s7], $0x5FFFF  }
0xac: {  	[dreg:$0x1] =	wrdreg $0xFFFFFFFF  }
0xad: {  	[dreg:$0x0] =	wrdreg $0x60  }
0xae: {  	[dreg:$0x2] =	wrdreg s24  }
0xaf: {  	[dreg:$0x3] =	wrdreg s2  }
0xb0: {  	[dreg:$0x4] =	wrdreg $0x62200  }
0xb1: {  	[dreg:$0x5] =	wrdreg $0x9  }
0xb2: {  	_ =	task.clear_ibuf [dreg:s7], $0x6FFFF;
	_ =	strace $0x9000004C  }
0xb3: {  	s29 =	simm.s32 $0x9;
	_ =	strace $0x8000004E  }
0xb4: {  	_ =	swait.ge [sflag:s29], $0x1  }
0xb5: {  	[sflag:s29] =	ssyncadd.s32 $0xFFFFFFFF  }
0xb6: {  	_ =	strace $0x9000004E  }
0xb7: {  	_ =	sfence  }
0xb8: {  	s30 =	sld [smem:$0x0];
	_ =	sdelay $0x2  }
0xb9: {  	s31 =	sshll.u32 s1, $0xD;
	s1 =	sshrl.u32 s1, $0x2  }
0xba: {  	s3 =	sand.u32 $0x4000, s31;
	s1 =	sadd.s32 s1, s30  }
0xbb: {  	s0 =	sor.u32 s3, s0;
	s1 =	sshll.u32 s1, $0x11  }
0xbc: {  	s0 =	sor.u32 s1, s0  }
0xbd: {  	s0 =	sadd.s32 $0x8F2B, s0  }
0xbe: {  	[sflag:s0] =	ssyncadd.remote.s32 $0x1  }
0xbf: {  	_ =	sfence.sel $0xFFFF  }
0xc0: {  	[dreg:$0x0] =	wrdreg $0xFFFFFFFF;
	(pc) =	sbr.abs _section_cstart, $3  }
0xc1: {  	[dreg:$0x1] =	wrdreg $0xFFFFFFFF  }
0xc2: {  	_ =	task.clear_ibuf [dreg:s7], $0x2FFFF;
	_ =	strace $0x9FFFFFFF  }
0xc3: {  	(tm) =	ssettm $0x7FFFFFFF  }
tec
execute0_lowered:
.L_overlay_start_1:
0x0: {  	(tag) =	ssettag $0x1  }
0x1: {  	s1 =	rddreg [dreg:$0x0]  }
0x2: {  	s0 =	srdreg.scid;
	s7 =	rddreg [dreg:$0x1]  }
0x3: {  	s23 =	stileid.u32;
	s2 =	rddreg [dreg:$0x2];
	s3 =	simm.s32 $0x0  }
0x4: {  	s12 =	simm.s32 $0x2710;
	s13 =	simm.s32 $0x50;
	s14 =	simm.s32 $0x4E20  }
0x5: {  	s16 =	simm.s32 $0x5320;
	s18 =	simm.s32 $0x5820;
	s19 =	simm.s32 $0x1  }
0x6: {  	s20 =	simm.s32 $0x5D20;
	s21 =	simm.s32 $0x2;
	s22 =	simm.s32 $0x3  }
0x7: {  	s26 =	simm.s32 $0x4;
	s31 =	simm.s32 $0x4DD0;
	s0 =	sand.u32 $0x1, s0  }
0x8: {  	s4 =	smul.u32 $0x2710, s23;
	[smem:$0x7FF] =	sst s3;
	s5 =	sadd.s32 $0x10200, s1  }
0x9: {  	s11 =	smul.u32 $0x2700, s23;
	s17 =	sadd.s32 $0x24900, s2;
	p0 =	sne.s32 s23, $0x0  }
0xa: {  	p1 =	seq.s32 s23, $0xF;
	s6 =	smul.u32 $0x27100, s0;
	_ =	strace $0x8000004D  }
0xb: {  	s0 =	ssub.s32 $0x2, s0;
	s23 =	sshrl.u32 @p1 s17, $0x3;
	s17 =	simm.s32 $0x0  }
0xc: {  	s10 =	sshrl.u32 s0, $0x1;
	s15 =	sadd.s32 s11, s2;
	s4 =	sadd.s32 s4, s6  }
0xd: {  	s6 =	sshrl.u32 s6, $0x3;
	s0 =	ssub.s32 s0, s10;
	s10 =	sshrl.u32 @!p0 s2, $0x3  }
0xe: {  	s25 =	sshrl.u32 @!p1 s15, $0x3;
	s15 =	simm.s32 $0x26C0;
	s8 =	sshrl.u32 s4, $0x3  }
0xf: {  	s4 =	sadd.s32 $0xB200, s1;
	s9 =	sadd.s32 s8, s1;
	s1 =	sadd.s32 s6, s1  }
0x10: {  	s7 =	sadd.s32 s7, s8;
	s6 =	sadd.s32 $0x1400, s9;
	s8 =	sadd.s32 $0x15200, s1  }
0x11: {  	s1 =	sshrl.u32 s11, $0x3;
	s9 =	smax.u32 s0, $0x1;
	s11 =	simm.s32 $0x5  }
0x12: {  	s0 =	simm.s32 $0x2620;
	s24 =	sadd.s32 @!p1 s1, s8;
	s1 =	simm.s32 $0x2670  }
.LBB2_1:
0x13: {  	s28 =	simm.s32 @!p0 $0x1C05  }
0x14: {  	[spmem:s10], [sflag:s28] =	dma.local @!p0 [hbm:s5], $0x4E40  }
0x15: {  	s28 =	simm.s32 @!p0 $0x5  }
0x16: {  	_ =	swait.ge @!p0 [sflag:s28], $0x4E40  }
0x17: {  	[sflag:s28] =	ssyncset.done @!p0 $0x0  }
0x18: {  	[sflag:s28] =	ssyncadd.s32 @!p0 $0xFFFFB1C0  }
0x19: {  	[tilespmem:s3], [sflag:$0x5] =	stream.linear.gather [hbm4b:s6+s3], $0x2710, $0x38;
	[tilespmem:$0x8940] =	vst v63  }
0x1a: {  	_ =	swait.ge [sflag:s11], $0x2710  }
0x1b: {  	[sflag:s11] =	ssyncset.done $0x0  }
0x1c: {  	[sflag:s11] =	ssyncadd.s32 $0xFFFFD8F0  }
0x1d: {  	[tilespmem:s12], [sflag:$0x5] =	stream.linear.gather [hbm4b:s7+s3], $0x2710, $0x38;
	[tilespmem:$0x8940] =	vst v63  }
0x1e: {  	_ =	swait.ge [sflag:s11], $0x2710  }
0x1f: {  	[sflag:s11] =	ssyncset.done $0x0  }
0x20: {  	[sflag:s11] =	ssyncadd.s32 $0xFFFFD8F0  }
0x21: {  	[bflag:$0x0] =	sbarrier.arrive $0xFFFF  }
0x22: {  	[tilespmem:s14], [sflag:$0x1] =	stream.indirect.gather [hbm4b:s4+s13], $0x10, s12, s13, $0xb8;
	[tilespmem:$0x8940] =	vst v63  }
0x23: {  	s28 =	simm.s32 $0x2760  }
0x24: {  	[tilespmem:s16], [sflag:$0x2] =	stream.indirect.gather [hbm4b:s4+s13], $0x10, s28, s13, $0xb8;
	[tilespmem:$0x8940] =	vst v63  }
0x25: {  	s28 =	simm.s32 $0x27B0  }
0x26: {  	[tilespmem:s18], [sflag:$0x3] =	stream.indirect.gather [hbm4b:s4+s13], $0x10, s28, s13, $0xb8;
	[tilespmem:$0x8940] =	vst v63  }
0x27: {  	_ =	swait.ge [sflag:s19], $0x500  }
0x28: {  	[sflag:s19] =	ssyncset.done $0x0  }
0x29: {  	s28 =	simm.s32 $0x0;
	[sflag:s19] =	ssyncadd.s32 $0xFFFFFB00  }
0x2a: {  	[spmem:s2] =	stream.indirect.scatter.add.f32 [tilespmem:s14], [sflag:$0x5], $0x10, s28, s13, $0xb8;
	[tilespmem:$0x8940] =	vst v63  }
0x2b: {  	_ =	swait.ge [sflag:s11], $0x500  }
0x2c: {  	[sflag:s11] =	ssyncset.done $0x0  }
0x2d: {  	s28 =	simm.s32 $0x2800;
	[sflag:s11] =	ssyncadd.s32 $0xFFFFFB00  }
0x2e: {  	[tilespmem:s20], [sflag:$0x4] =	stream.indirect.gather [hbm4b:s4+s13], $0x10, s28, s13, $0xb8;
	[tilespmem:$0x8940] =	vst v63  }
0x2f: {  	_ =	swait.ge [sflag:s21], $0x500  }
0x30: {  	[sflag:s21] =	ssyncset.done $0x0  }
0x31: {  	s28 =	simm.s32 $0x50;
	[sflag:s21] =	ssyncadd.s32 $0xFFFFFB00  }
0x32: {  	[spmem:s2] =	stream.indirect.scatter.add.f32 [tilespmem:s16], [sflag:$0x5], $0x10, s28, s13, $0xb8;
	[tilespmem:$0x8940] =	vst v63  }
0x33: {  	_ =	swait.ge [sflag:s11], $0x500  }
0x34: {  	[sflag:s11] =	ssyncset.done $0x0  }
0x35: {  	s28 =	simm.s32 $0x2850;
	[sflag:s11] =	ssyncadd.s32 $0xFFFFFB00  }
0x36: {  	[tilespmem:s14], [sflag:$0x1] =	stream.indirect.gather [hbm4b:s4+s13], $0x10, s28, s13, $0xb8;
	[tilespmem:$0x8940] =	vst v63  }
0x37: {  	_ =	swait.ge [sflag:s22], $0x500  }
0x38: {  	[sflag:s22] =	ssyncset.done $0x0  }
0x39: {  	s28 =	simm.s32 $0xA0;
	[sflag:s22] =	ssyncadd.s32 $0xFFFFFB00  }
0x3a: {  	[spmem:s2] =	stream.indirect.scatter.add.f32 [tilespmem:s18], [sflag:$0x5], $0x10, s28, s13, $0xb8;
	[tilespmem:$0x8940] =	vst v63  }
0x3b: {  	_ =	swait.ge [sflag:s11], $0x500  }
0x3c: {  	[sflag:s11] =	ssyncset.done $0x0  }
0x3d: {  	s28 =	simm.s32 $0x28A0;
	[sflag:s11] =	ssyncadd.s32 $0xFFFFFB00  }
0x3e: {  	[tilespmem:s16], [sflag:$0x2] =	stream.indirect.gather [hbm4b:s4+s13], $0x10, s28, s13, $0xb8;
	[tilespmem:$0x8940] =	vst v63  }
0x3f: {  	_ =	swait.ge [sflag:s26], $0x500  }
0x40: {  	[sflag:s26] =	ssyncset.done $0x0  }
0x41: {  	s28 =	simm.s32 $0xF0;
	[sflag:s26] =	ssyncadd.s32 $0xFFFFFB00  }
0x42: {  	[spmem:s2] =	stream.indirect.scatter.add.f32 [tilespmem:s20], [sflag:$0x5], $0x10, s28, s13, $0xb8;
	[tilespmem:$0x8940] =	vst v63  }
0x43: {  	_ =	swait.ge [sflag:s11], $0x500  }
0x44: {  	[sflag:s11] =	ssyncset.done $0x0  }
0x45: {  	s29 =	simm.s32 $0x28F0;
	s28 =	simm.s32 $0x500;
	[sflag:s11] =	ssyncadd.s32 $0xFFFFFB00  }
.LBB2_2:
0x46: {  	[tilespmem:s18], [sflag:$0x3] =	stream.indirect.gather [hbm4b:s4+s13], $0x10, s29, s13, $0xb8;
	[tilespmem:$0x8940] =	vst v63  }
0x47: {  	s29 =	smov.u32 s28  }
0x48: {  	p2 =	sne.s32 s28, $0x9100;
	s28 =	sadd.s32 $0x500, s28;
	_ =	swait.ge [sflag:s19], $0x500  }
0x49: {  	[sflag:s19] =	ssyncset.done $0x0  }
0x4a: {  	s29 =	sshra.s32 s29, $0x2;
	[sflag:s19] =	ssyncadd.s32 $0xFFFFFB00  }
0x4b: {  	[spmem:s2] =	stream.indirect.scatter.add.f32 [tilespmem:s14], [sflag:$0x5], $0x10, s29, s13, $0xb8;
	[tilespmem:$0x8940] =	vst v63  }
0x4c: {  	_ =	swait.ge [sflag:s11], $0x500  }
0x4d: {  	[sflag:s11] =	ssyncset.done $0x0  }
0x4e: {  	s30 =	sadd.s32 $0x2800, s29;
	[sflag:s11] =	ssyncadd.s32 $0xFFFFFB00  }
0x4f: {  	[tilespmem:s20], [sflag:$0x4] =	stream.indirect.gather [hbm4b:s4+s13], $0x10, s30, s13, $0xb8;
	[tilespmem:$0x8940] =	vst v63  }
0x50: {  	_ =	swait.ge [sflag:s21], $0x500  }
0x51: {  	[sflag:s21] =	ssyncset.done $0x0  }
0x52: {  	s30 =	sadd.s32 $0x50, s29;
	[sflag:s21] =	ssyncadd.s32 $0xFFFFFB00  }
0x53: {  	[spmem:s2] =	stream.indirect.scatter.add.f32 [tilespmem:s16], [sflag:$0x5], $0x10, s30, s13, $0xb8;
	[tilespmem:$0x8940] =	vst v63  }
0x54: {  	_ =	swait.ge [sflag:s11], $0x500  }
0x55: {  	[sflag:s11] =	ssyncset.done $0x0  }
0x56: {  	s30 =	sadd.s32 $0x2850, s29;
	[sflag:s11] =	ssyncadd.s32 $0xFFFFFB00  }
0x57: {  	[tilespmem:s14], [sflag:$0x1] =	stream.indirect.gather [hbm4b:s4+s13], $0x10, s30, s13, $0xb8;
	[tilespmem:$0x8940] =	vst v63  }
0x58: {  	_ =	swait.ge [sflag:s22], $0x500  }
0x59: {  	[sflag:s22] =	ssyncset.done $0x0  }
0x5a: {  	s30 =	sadd.s32 $0xA0, s29;
	[sflag:s22] =	ssyncadd.s32 $0xFFFFFB00  }
0x5b: {  	[spmem:s2] =	stream.indirect.scatter.add.f32 [tilespmem:s18], [sflag:$0x5], $0x10, s30, s13, $0xb8;
	[tilespmem:$0x8940] =	vst v63  }
0x5c: {  	_ =	swait.ge [sflag:s11], $0x500  }
0x5d: {  	[sflag:s11] =	ssyncset.done $0x0  }
0x5e: {  	s30 =	sadd.s32 $0x28A0, s29;
	[sflag:s11] =	ssyncadd.s32 $0xFFFFFB00  }
0x5f: {  	[tilespmem:s16], [sflag:$0x2] =	stream.indirect.gather [hbm4b:s4+s13], $0x10, s30, s13, $0xb8;
	[tilespmem:$0x8940] =	vst v63  }
0x60: {  	_ =	swait.ge [sflag:s26], $0x500  }
0x61: {  	[sflag:s26] =	ssyncset.done $0x0  }
.Ltmp0:
0x62: {  	s30 =	sadd.s32 $0xF0, s29;
	[sflag:s26] =	ssyncadd.s32 $0xFFFFFB00;
	(pc) =	sbr.rel @p2 .LBB2_2-.Ltmp0, $4  }
0x63: {  	[spmem:s2] =	stream.indirect.scatter.add.f32 [tilespmem:s20], [sflag:$0x5], $0x10, s30, s13, $0xb8;
	[tilespmem:$0x8940] =	vst v63  }
0x64: {  	_ =	swait.ge [sflag:s11], $0x500  }
0x65: {  	[sflag:s11] =	ssyncset.done $0x0  }
0x66: {  	s29 =	sadd.s32 $0x28F0, s29;
	[sflag:s11] =	ssyncadd.s32 $0xFFFFFB00  }
0x67: {  	[tilespmem:s18], [sflag:$0x3] =	stream.indirect.gather [hbm4b:s4+s13], $0x10, s29, s13, $0xb8;
	[tilespmem:$0x8940] =	vst v63  }
0x68: {  	_ =	swait.ge [sflag:s19], $0x500  }
0x69: {  	[sflag:s19] =	ssyncset.done $0x0  }
0x6a: {  	s28 =	simm.s32 $0x2580;
	[sflag:s19] =	ssyncadd.s32 $0xFFFFFB00  }
0x6b: {  	[spmem:s2] =	stream.indirect.scatter.add.f32 [tilespmem:s14], [sflag:$0x5], $0x10, s28, s13, $0xb8;
	[tilespmem:$0x8940] =	vst v63  }
0x6c: {  	_ =	swait.ge [sflag:s11], $0x500  }
0x6d: {  	[sflag:s11] =	ssyncset.done $0x0  }
0x6e: {  	s29 =	simm.s32 $0x4D80;
	[sflag:s11] =	ssyncadd.s32 $0xFFFFFB00  }
0x6f: {  	[tilespmem:s20], [sflag:$0x4] =	stream.indirect.gather [hbm4b:s4+s13], $0x10, s29, s13, $0xb8;
	[tilespmem:$0x8940] =	vst v63  }
0x70: {  	_ =	swait.ge [sflag:s21], $0x500  }
0x71: {  	[sflag:s21] =	ssyncset.done $0x0  }
0x72: {  	s30 =	simm.s32 $0x25D0;
	[sflag:s21] =	ssyncadd.s32 $0xFFFFFB00  }
0x73: {  	[spmem:s2] =	stream.indirect.scatter.add.f32 [tilespmem:s16], [sflag:$0x5], $0x10, s30, s13, $0xb8;
	[tilespmem:$0x8940] =	vst v63  }
0x74: {  	_ =	swait.ge [sflag:s11], $0x500  }
0x75: {  	[sflag:s11] =	ssyncset.done $0x0  }
0x76: {  	[sflag:s11] =	ssyncadd.s32 $0xFFFFFB00  }
0x77: {  	[tilespmem:s14], [sflag:$0x1] =	stream.indirect.gather [hbm4b:s4+s13], $0x10, s31, s13, $0xb8;
	[tilespmem:$0x8940] =	vst v63  }
0x78: {  	_ =	swait.ge [sflag:s22], $0x500  }
0x79: {  	[sflag:s22] =	ssyncset.done $0x0  }
0x7a: {  	[sflag:s22] =	ssyncadd.s32 $0xFFFFFB00  }
0x7b: {  	[spmem:s2] =	stream.indirect.scatter.add.f32 [tilespmem:s18], [sflag:$0x5], $0x10, s0, s13, $0xb8;
	[tilespmem:$0x8940] =	vst v63  }
0x7c: {  	_ =	swait.ge [sflag:s11], $0x500  }
0x7d: {  	[sflag:s11] =	ssyncset.done $0x0  }
0x7e: {  	[sflag:s11] =	ssyncadd.s32 $0xFFFFFB00  }
0x7f: {  	_ =	swait.ge [sflag:s26], $0x500  }
0x80: {  	[sflag:s26] =	ssyncset.done $0x0  }
0x81: {  	[sflag:s26] =	ssyncadd.s32 $0xFFFFFB00  }
0x82: {  	[spmem:s2] =	stream.indirect.scatter.add.f32 [tilespmem:s20], [sflag:$0x5], $0x10, s1, s13, $0xb8;
	[tilespmem:$0x8940] =	vst v63  }
0x83: {  	_ =	swait.ge [sflag:s11], $0x500  }
0x84: {  	[sflag:s11] =	ssyncset.done $0x0  }
0x85: {  	[sflag:s11] =	ssyncadd.s32 $0xFFFFFB00  }
0x86: {  	_ =	swait.ge [sflag:s19], $0x500  }
0x87: {  	[sflag:s19] =	ssyncset.done $0x0  }
0x88: {  	[sflag:s19] =	ssyncadd.s32 $0xFFFFFB00  }
0x89: {  	[spmem:s2] =	stream.indirect.scatter.add.f32 [tilespmem:s14], [sflag:$0x5], $0x10, s15, s13, $0xb8;
	[tilespmem:$0x8940] =	vst v63  }
0x8a: {  	_ =	swait.ge [sflag:s11], $0x500  }
0x8b: {  	[sflag:s11] =	ssyncset.done $0x0  }
0x8c: {  	[sflag:s11] =	ssyncadd.s32 $0xFFFFFB00  }
0x8d: {  	s28 =	sadd.s32 @p1 $0x4920, s8;
	s29 =	simm.s32 @p1 $0x1FC5;
	[bflag:$0x0] =	sbarrier.arrive $0xFFFF  }
0x8e: {  	[hbm:s28], [sflag:s29] =	dma.local @p1 [spmem:s23], $0x500  }
0x8f: {  	s28 =	simm.s32 @p1 $0x5  }
0x90: {  	s29 =	stileid.u32;
	_ =	swait.ge @p1 [sflag:s28], $0x500  }
0x91: {  	s17 =	sadd.s32 $0x1, s17;
	s29 =	sshll.u32 @!p1 s29, $0x6;
	[sflag:s28] =	ssyncset.done @p1 $0x0  }
0x92: {  	p2 =	sne.s32 s17, s9;
	[sflag:s28] =	ssyncadd.s32 @p1 $0xFFFFFB00;
	s28 =	sor.u32 @!p1 $0x1C05, s29  }
0x93: {  	[hbm:s24], [sflag:s28] =	dma.local @!p1 [spmem:s25], $0x4E0  }
.Ltmp1:
0x94: {  	_ = 	snop;
	(pc) =	sbr.rel @p2 .LBB2_1-.Ltmp1, $4  }
0x95: {  	s28 =	simm.s32 @!p1 $0x5  }
0x96: {  	_ =	swait.ge @!p1 [sflag:s28], $0x4E0  }
0x97: {  	[sflag:s28] =	ssyncset.done @!p1 $0x0  }
0x98: {  	[sflag:s28] =	ssyncadd.s32 @!p1 $0xFFFFFB20  }
0x99: {  	_ =	sfence.sel $0x180000  }
0x9a: {  	[bflag:$0x0] =	sbarrier.arrive $0xFFFF  }
0x9b: {  	_ =	strace $0x9000004D  }
0x9c: {  	[bflag:$0x2] =	sbarrier.arrive $0xFFFF  }
0x9d: {  	s0 =	rddreg [dreg:$0x3]  }
0x9e: {  	s0 =	sadd.s32 @!p0 $0x100000, s0  }
0x9f: {  	[sflag:s0] =	ssyncadd.tile.s32 @!p0 $0x1;
	_ =	shalt  }
.Lfunc_end2:
_tile_overlayer_lowered:
.L_overlay_start_2:
0xa0: {  	(tag) =	ssettag $0x2  }
0xa1: {  	s0 =	rddreg [dreg:$0x0];
	s2 =	stileid.u32  }
0xa2: {  	s1 =	rddreg [dreg:$0x1];
	p0 =	sne.s32 s2, $0x0  }
0xa3: {  	s3 =	rddreg [dreg:$0x2];
	[bflag:$0x3] =	sbarrier.arrive $0xFFFF;
	s2 =	simm.s32 @!p0 $0x1C05  }
0xa4: {  	[timem:s3], [sflag:s2] =	dma.local @!p0 [hbm:s0], s1  }
0xa5: {  	s0 =	simm.s32 @!p0 $0x5  }
0xa6: {  	_ =	swait.ge @!p0 [sflag:s0], s1  }
0xa7: {  	s1 =	ssub.s32 @!p0 $0x0, s1;
	[sflag:s0] =	ssyncset.done @!p0 $0x0  }
0xa8: {  	[sflag:s0] =	ssyncadd.s32 @!p0 s1  }
0xa9: {  	[bflag:$0x3] =	sbarrier.arrive $0xFFFF  }
0xaa: {  	_ =	shalt  }

// kernel: kernel.8.cloned.1.call-start
scs
__scs_entry_jumppad:
0x0: {  	(pc) =	sbr.rel $0x88, $3  }
0x1: {  	(tag) =	ssettag $0x0;
	lr =	simm.s32 $0x1  }
0x2: {  	[smem:$0x3F99] =	sst lr;
	_ =	strace $0xD0000000  }
0x3: {  	_ = 	snop  }
0x4: {  	_ = 	snop  }
0x5: {  	_ = 	snop  }
0x6: {  	_ = 	snop  }
0x7: {  	_ = 	snop  }
__scs_overlays_trampoline_lowered:
0x8: {  	[smem:$0x3FA8] =	sst s0  }
0x9: {  	[smem:$0x3FA9] =	sst s1  }
0xa: {  	[smem:$0x3FAA] =	sst s2  }
0xb: {  	[smem:$0x3FAB] =	sst s3  }
0xc: {  	[smem:$0x3FAC] =	sst s4  }
0xd: {  	[smem:$0x3FAD] =	sst s5  }
0xe: {  	[smem:$0x3FAE] =	sst s6  }
0xf: {  	[smem:$0x3FAF] =	sst s7  }
0x10: {  	[smem:$0x3FB0] =	sst s8  }
0x11: {  	[smem:$0x3FB1] =	sst s9;
	s0 =	simm.s32 @!p0 $0x0  }
0x12: {  	s1 =	sld [smem:$0x3F97];
	s0 =	simm.s32 @p0 $0x1  }
0x13: {  	[smem:$0x3FB2] =	sst s0;
	s0 =	simm.s32 @!p1 $0x0  }
0x14: {  	s2 =	sld [smem:$0x3F96];
	s0 =	simm.s32 @p1 $0x1  }
0x15: {  	[smem:$0x3FB3] =	sst s0;
	s0 =	simm.s32 @!p2 $0x0  }
0x16: {  	s3 =	sld [smem:$0x3FDB];
	s0 =	simm.s32 @p2 $0x1  }
0x17: {  	s4 =	simm.s32 $0x1BF5;
	[smem:$0x3FB5] =	sst s0  }
0x18: {  	s0 =	sld [smem:$0x3F98];
	_ =	swait.ge [sflag:s4], $0x0  }
0x19: {  	s7 =	sld [smem:$0x3F99]  }
0x1a: {  	s8 =	sadd.s32 $0xFFFFE003, lr  }
0x1b: {  	s9 =	sadd.s32 $0xFFFFFEF7, lr;
	s5 =	simm.s32 $0xFFFFFFFF;
	p2 =	slt.u32 s8, $0xFFFFF086  }
0x1c: {  	p1 =	slt.u32 s9, $0xF7A;
	s5 =	simm.s32 @!p2 $0x0  }
0x1d: {  	s5 =	simm.s32 @p1 $0x1;
	p0 =	seq.s32 s7, s2  }
0x1e: {  	s7 =	smul.u32 @!p0 $0xF7A, s2;
	p2 =	seq.s32 @!p0 s5, $0x0  }
0x1f: {  	s9 =	smul.u32 $0xF7A, s1;
	s8 =	simm.s32 @!p0 $0x1BF5;
	p2 =	por !p2, p0  }
0x20: {  	[sflag:s8] =	ssyncset.s32 @!p0 $0xFFFFF086;
	s6 =	sadd.s32 @!p0 s3, s7;
	s7 =	simm.s32 @!p0 $0x108  }
0x21: {  	s3 =	sadd.s32 s3, s9;
	s6 =	sadd.s32 @!p0 $0x88, s6;
	s7 =	simm.s32 @p2 $0x1082  }
0x22: {  	[simem:s7], [sflag:s8] =	dma.local @!p0 [hbm:s6], $0xF7A  }
0x23: {  	s9 =	sor.u32 $0xD0000000, s2;
	s6 =	simm.s32 $0x108;
	_ =	swait.ge @!p0 [sflag:s8], $0x0  }
0x24: {  	s3 =	sadd.s32 $0x88, s3;
	s6 =	simm.s32 @!p1 $0x1082;
	[sflag:s4] =	ssyncset.s32 $0xFFFFF086  }
0x25: {  	[simem:s6], [sflag:s4] =	dma.local [hbm:s3], $0xF7A  }
0x26: {  	[smem:$0x3F99] =	sst s1;
	(tag) =	ssettag s2;
	_ =	strace s9  }
0x27: {  	s1 =	sld [smem:$0x3FA9]  }
0x28: {  	s2 =	sld [smem:$0x3FAA]  }
0x29: {  	s4 =	sld [smem:$0x3FAC]  }
0x2a: {  	p0 =	seq.s32 s5, $0x0;
	s5 =	sld [smem:$0x3FAD]  }
0x2b: {  	s6 =	sld [smem:$0x3FAE]  }
0x2c: {  	s7 =	sld [smem:$0x3FAF]  }
0x2d: {  	s3 =	simm.s32 $0x108;
	s8 =	sld [smem:$0x3FB0]  }
0x2e: {  	s3 =	simm.s32 @!p0 $0x1082;
	s9 =	sld [smem:$0x3FB1]  }
0x2f: {  	lr =	sadd.s32 s0, s3;
	s0 =	sld [smem:$0x3FA8]  }
0x30: {  	s3 =	sld [smem:$0x3FAB]  }
0x31: {  	[smem:$0x3FB4] =	sst s10  }
0x32: {  	s10 =	sld [smem:$0x3FB2];
	_ =	sdelay $0x3  }
0x33: {  	p0 =	seq.s32 s10, $0x1;
	s10 =	sld [smem:$0x3FB4];
	_ =	sdelay $0x3  }
0x34: {  	[smem:$0x3FB4] =	sst s10  }
0x35: {  	s10 =	sld [smem:$0x3FB3];
	_ =	sdelay $0x3  }
0x36: {  	p1 =	seq.s32 s10, $0x1;
	s10 =	sld [smem:$0x3FB4];
	_ =	sdelay $0x3  }
0x37: {  	[smem:$0x3FB4] =	sst s10  }
0x38: {  	s10 =	sld [smem:$0x3FB5]  }
0x39: {  	_ = 	snop;
	(pc) =	sbr.ind lr, $3  }
0x3a: {  	_ = 	snop  }
0x3b: {  	_ = 	snop  }
0x3c: {  	p2 =	seq.s32 s10, $0x1;
	s10 =	sld [smem:$0x3FB4]  }
0x3d: {  	_ =	shalt  }
0x3e: {  	_ =	shalt  }
0x3f: {  	_ =	shalt  }
0x40: {  	_ =	shalt  }
0x41: {  	_ =	shalt  }
0x42: {  	_ =	shalt  }
0x43: {  	_ =	shalt  }
0x44: {  	_ =	shalt  }
0x45: {  	_ =	shalt  }
0x46: {  	_ =	shalt  }
0x47: {  	_ =	shalt  }
0x48: {  	_ =	shalt  }
0x49: {  	_ =	shalt  }
0x4a: {  	_ =	shalt  }
0x4b: {  	_ =	shalt  }
0x4c: {  	_ =	shalt  }
0x4d: {  	_ =	shalt  }
0x4e: {  	_ =	shalt  }
0x4f: {  	_ =	shalt  }
0x50: {  	_ =	shalt  }
0x51: {  	_ =	shalt  }
0x52: {  	_ =	shalt  }
0x53: {  	_ =	shalt  }
0x54: {  	_ =	shalt  }
0x55: {  	_ =	shalt  }
0x56: {  	_ =	shalt  }
0x57: {  	_ =	shalt  }
0x58: {  	_ =	shalt  }
0x59: {  	_ =	shalt  }
0x5a: {  	_ =	shalt  }
0x5b: {  	_ =	shalt  }
0x5c: {  	_ =	shalt  }
0x5d: {  	_ =	shalt  }
0x5e: {  	_ =	shalt  }
0x5f: {  	_ =	shalt  }
0x60: {  	_ =	shalt  }
0x61: {  	_ =	shalt  }
0x62: {  	_ =	shalt  }
0x63: {  	_ =	shalt  }
0x64: {  	_ =	shalt  }
0x65: {  	_ =	shalt  }
0x66: {  	_ =	shalt  }
0x67: {  	_ =	shalt  }
0x68: {  	_ =	shalt  }
0x69: {  	_ =	shalt  }
0x6a: {  	_ =	shalt  }
0x6b: {  	_ =	shalt  }
0x6c: {  	_ =	shalt  }
0x6d: {  	_ =	shalt  }
0x6e: {  	_ =	shalt  }
0x6f: {  	_ =	shalt  }
0x70: {  	_ =	shalt  }
0x71: {  	_ =	shalt  }
0x72: {  	_ =	shalt  }
0x73: {  	_ =	shalt  }
0x74: {  	_ =	shalt  }
0x75: {  	_ =	shalt  }
0x76: {  	_ =	shalt  }
0x77: {  	_ =	shalt  }
0x78: {  	_ =	shalt  }
0x79: {  	_ =	shalt  }
0x7a: {  	_ =	shalt  }
0x7b: {  	_ =	shalt  }
0x7c: {  	_ =	shalt  }
0x7d: {  	_ =	shalt  }
0x7e: {  	_ =	shalt  }
0x7f: {  	_ =	shalt  }
0x80: {  	_ =	shalt  }
0x81: {  	_ =	shalt  }
0x82: {  	_ =	shalt  }
0x83: {  	_ =	shalt  }
0x84: {  	_ =	shalt  }
0x85: {  	_ =	shalt  }
0x86: {  	_ =	shalt  }
0x87: {  	_ =	shalt  }
.Lfunc_end0:
.L_simem_size_0:
called_computation_lowered:
.L_overlay_start_0:
0x88: {  	s2 =	sld [smem:$0x3FD9]  }
0x89: {  	s3 =	sld [smem:$0x3FFE];
	_ =	sdelay $0x1  }
0x8a: {  	s1 =	srdreg.scid  }
0x8b: {  	s0 =	sand.u32 $0x1, s1  }
0x8c: {  	s16 =	sshll.u32 s0, $0xA;
	s2 =	sadd.s32 s3, s2  }
0x8d: {  	s2 =	sadd.s32 s2, s16  }
0x8e: {  	[smem:$0x3FC0] =	sst s2  }
0x8f: {  	_ = 	snop  }
0x90: {  	(tm) =	ssettm $0x1  }
0x91: {  	s17 =	sld [smem:$0x3FFB];
	_ =	sdelay $0x3  }
0x92: {  	_ =	strace s17  }
0x93: {  	s2 =	sld [smem:$0x3FFC];
	_ =	sdelay $0x3  }
0x94: {  	_ =	strace s2  }
0x95: {  	s2 =	sld [smem:$0x3FFD];
	_ =	sdelay $0x3  }
0x96: {  	_ =	strace s2  }
0x97: {  	_ =	strace $0x8FFFFFFF  }
0x98: {  	s18 =	sld [smem:$0x3FDB];
	_ =	sdelay $0x1  }
0x99: {  	s19 =	simm.s32 $_scs_section_size  }
0x9a: {  	s4 =	simm.s32 $_size__tile_overlayer_lowered;
	s5 =	simm.s32 $_tile_overlayer_lowered  }
0x9b: {  	s22 =	simm.s32 $0x1BFF;
	s21 =	sshll.u32 s5, $0x1;
	s2 =	sadd.s32 s19, s18  }
0x9c: {  	s6 =	simm.s32 $0x0;
	s20 =	sshll.u32 s4, $0x1;
	s4 =	sadd.s32 s21, s2  }
0x9d: {  	[timem:s6], [sflag:s22] =	dma.local [hbm:s4], s20  }
0x9e: {  	_ =	swait.ge [sflag:s22], s20  }
0x9f: {  	s3 =	ssub.s32 $0x0, s20;
	[sflag:s22] =	ssyncset.done $0x0  }
0xa0: {  	[sflag:s22] =	ssyncadd.s32 s3;
	_ =	sdelay $0x1  }
0xa1: {  	s23 =	simm.s32 $0x1B8B  }
0xa2: {  	_ =	swait.ge [sflag:s23], $0x1  }
0xa3: {  	[sflag:s23] =	ssyncset.done $0x0  }
0xa4: {  	s25 =	simm.s32 $0x1B8E;
	s24 =	sld [smem:$0x3FFE];
	[sflag:s23] =	ssyncadd.s32 $0xFFFFFFFF  }
0xa5: {  	s26 =	simm.s32 $execute0_lowered;
	[smem:$0x3FD2] =	sst s25  }
0xa6: {  	s4 =	sshll.u32 s26, $0x1;
	_ =	strace $0x80000046;
	[dreg:$0x1] =	wrdreg $0xFFFFFFFF  }
0xa7: {  	s28 =	simm.s32 $_size_execute0_lowered;
	s2 =	sadd.s32 s2, s4;
	[dreg:$0x0] =	wrdreg $0x0  }
0xa8: {  	s4 =	sshll.u32 s28, $0x1;
	[dreg:$0x2] =	wrdreg s2  }
0xa9: {  	[dreg:$0x3] =	wrdreg s4  }
0xaa: {  	[dreg:$0x4] =	wrdreg $0xC0  }
0xab: {  	_ =	task [dreg:s6], $0x5FFFF  }
0xac: {  	[dreg:$0x1] =	wrdreg $0xFFFFFFFF  }
0xad: {  	[dreg:$0x0] =	wrdreg $0x60  }
0xae: {  	[dreg:$0x2] =	wrdreg s24  }
0xaf: {  	[dreg:$0x3] =	wrdreg $0x27600  }
0xb0: {  	[dreg:$0x4] =	wrdreg $0x9  }
0xb1: {  	_ =	task.clear_ibuf [dreg:s6], $0x5FFFF;
	_ =	strace $0x90000046  }
0xb2: {  	s29 =	simm.s32 $0x9;
	_ =	strace $0x80000048  }
0xb3: {  	_ =	swait.ge [sflag:s29], $0x1  }
0xb4: {  	[sflag:s29] =	ssyncadd.s32 $0xFFFFFFFF  }
0xb5: {  	_ =	strace $0x90000048  }
0xb6: {  	_ =	sfence  }
0xb7: {  	s30 =	sld [smem:$0x0];
	_ =	sdelay $0x2  }
0xb8: {  	s31 =	sshll.u32 s1, $0xD;
	s1 =	sshrl.u32 s1, $0x2  }
0xb9: {  	s3 =	sand.u32 $0x4000, s31;
	s1 =	sadd.s32 s1, s30  }
0xba: {  	s0 =	sor.u32 s3, s0;
	s1 =	sshll.u32 s1, $0x11  }
0xbb: {  	s0 =	sor.u32 s1, s0  }
0xbc: {  	s0 =	sadd.s32 $0x8F2B, s0  }
0xbd: {  	[sflag:s0] =	ssyncadd.remote.s32 $0x1  }
0xbe: {  	_ =	sfence.sel $0xFFFF  }
0xbf: {  	[dreg:$0x0] =	wrdreg $0xFFFFFFFF;
	(pc) =	sbr.abs _section_cstart, $3  }
0xc0: {  	[dreg:$0x1] =	wrdreg $0xFFFFFFFF  }
0xc1: {  	_ =	task.clear_ibuf [dreg:s6], $0x2FFFF;
	_ =	strace $0x9FFFFFFF  }
0xc2: {  	(tm) =	ssettm $0x7FFFFFFF  }
0xc3: {  	_ =	shalt  }
tec
execute0_lowered:
.L_overlay_start_1:
0x0: {  	(tag) =	ssettag $0x1  }
0x1: {  	s0 =	srdreg.scid;
	s4 =	rddreg [dreg:$0x0]  }
0x2: {  	s6 =	stileid.u32;
	s1 =	rddreg [dreg:$0x1];
	s2 =	simm.s32 $0x0  }
0x3: {  	s10 =	simm.s32 $0x2710;
	s3 =	sand.u32 $0x1, s0;
	s7 =	smul.u32 $0x2710, s6  }
0x4: {  	s11 =	simm.s32 $0x0;
	s0 =	rddreg [dreg:$0x2];
	s5 =	smul.u32 $0x27100, s3  }
0x5: {  	[smem:$0x7FF] =	sst s2;
	p0 =	sne.s32 s6, $0x0;
	s31 =	smul.u32 $0x4E2, s3  }
0x6: {  	s8 =	ssub.s32 $0x2, s3;
	_ =	strace $0x80000047;
	s3 =	sadd.s32 $0xB200, s4  }
0x7: {  	s9 =	sshrl.u32 s8, $0x1;
	s5 =	sadd.s32 s7, s5;
	s7 =	sadd.s32 s31, s4  }
0x8: {  	s8 =	ssub.s32 s8, s9;
	s9 =	simm.s32 $0x50;
	s5 =	sshrl.u32 s5, $0x3  }
0x9: {  	s6 =	smax.u32 s8, $0x1;
	s8 =	simm.s32 $0x1;
	s5 =	sadd.s32 s5, s4  }
0xa: {  	v0 =	vimm.f32 $1.000000000e+00;
	s4 =	sadd.s32 $0x1400, s5;
	s5 =	sadd.s32 $0xB800, s7;
	s7 =	sshrl.u32 @!p0 s1, $0x3  }
.LBB2_1:
0xb: {  	s12 =	simm.s32 @!p0 $0x1C01  }
0xc: {  	[spmem:s7], [sflag:s12] =	dma.local @!p0 [hbm:s3], $0x4E4  }
0xd: {  	s12 =	simm.s32 @!p0 $0x1  }
0xe: {  	_ =	swait.ge @!p0 [sflag:s12], $0x4E4  }
0xf: {  	[sflag:s12] =	ssyncset.done @!p0 $0x0  }
0x10: {  	[sflag:s12] =	ssyncadd.s32 @!p0 $0xFFFFFB1C  }
0x11: {  	[tilespmem:s2], [sflag:$0x1] =	stream.linear.gather [hbm4b:s4+s2], $0x2710, $0x38;
	[tilespmem:$0x29D8] =	vst v63  }
0x12: {  	_ =	swait.ge [sflag:s8], $0x2710  }
0x13: {  	[sflag:s8] =	ssyncset.done $0x0  }
0x14: {  	[sflag:s8] =	ssyncadd.s32 $0xFFFFD8F0  }
0x15: {  	[tilespmem:$0x2710] =	vst v0  }
0x16: {  	[tilespmem:$0x2720] =	vst v0  }
0x17: {  	[tilespmem:$0x2730] =	vst v0  }
0x18: {  	[tilespmem:$0x2740] =	vst v0  }
0x19: {  	[tilespmem:$0x2750] =	vst v0  }
0x1a: {  	s31 =	simm.s32 $0x0;
	[bflag:$0x0] =	sbarrier.arrive $0xFFFF  }
0x1b: {  	[spmem:s1] =	stream.indirect.scatter.add.f32 [tilespmem:s10], [sflag:$0x1], $0x1, s31, s9, $0xb8;
	[tilespmem:$0x29D8] =	vst v63  }
0x1c: {  	_ =	swait.ge [sflag:s8], $0x50  }
0x1d: {  	s12 =	simm.s32 $0x140;
	[sflag:s8] =	ssyncset.done $0x0  }
.LBB2_2:
0x1e: {  	s13 =	sshra.s32 s12, $0x2;
	[sflag:s8] =	ssyncadd.s32 $0xFFFFFFB0;
	p1 =	sne.s32 s12, $0x9B00  }
0x1f: {  	[spmem:s1] =	stream.indirect.scatter.add.f32 [tilespmem:s10], [sflag:$0x1], $0x1, s13, s9, $0xb8;
	[tilespmem:$0x29D8] =	vst v63  }
.Ltmp0:
0x20: {  	_ = 	snop;
	(pc) =	sbr.rel @p1 .LBB2_2-.Ltmp0, $4  }
0x21: {  	_ = 	snop  }
0x22: {  	s12 =	sadd.s32 $0x140, s12  }
0x23: {  	_ =	swait.ge [sflag:s8], $0x50  }
0x24: {  	[sflag:s8] =	ssyncset.done $0x0  }
0x25: {  	[sflag:s8] =	ssyncadd.s32 $0xFFFFFFB0;
	s11 =	sadd.s32 $0x1, s11  }
0x26: {  	s12 =	simm.s32 @!p0 $0x1C01;
	[bflag:$0x0] =	sbarrier.arrive $0xFFFF;
	p1 =	sne.s32 s11, s6  }
0x27: {  	[hbm:s5], [sflag:s12] =	dma.local @!p0 [spmem:s7], $0x4E2  }
.Ltmp1:
0x28: {  	_ = 	snop;
	(pc) =	sbr.rel @p1 .LBB2_1-.Ltmp1, $4  }
0x29: {  	s12 =	simm.s32 @!p0 $0x1  }
0x2a: {  	_ =	swait.ge @!p0 [sflag:s12], $0x4E2  }
0x2b: {  	[sflag:s12] =	ssyncset.done @!p0 $0x0  }
0x2c: {  	[sflag:s12] =	ssyncadd.s32 @!p0 $0xFFFFFB1E  }
0x2d: {  	_ =	sfence.sel $0x180000  }
0x2e: {  	[bflag:$0x0] =	sbarrier.arrive $0xFFFF  }
0x2f: {  	_ =	strace $0x90000047  }
0x30: {  	s0 =	sadd.s32 @!p0 $0x100000, s0;
	[bflag:$0x2] =	sbarrier.arrive $0xFFFF  }
0x31: {  	[sflag:s0] =	ssyncadd.tile.s32 @!p0 $0x1;
	_ =	shalt  }
.Lfunc_end2:
_tile_overlayer_lowered:
.L_overlay_start_2:
0x32: {  	(tag) =	ssettag $0x2  }
0x33: {  	s0 =	rddreg [dreg:$0x0];
	s2 =	stileid.u32  }
0x34: {  	s1 =	rddreg [dreg:$0x1];
	p0 =	sne.s32 s2, $0x0  }
0x35: {  	s3 =	rddreg [dreg:$0x2];
	[bflag:$0x3] =	sbarrier.arrive $0xFFFF;
	s2 =	simm.s32 @!p0 $0x1C01  }
0x36: {  	[timem:s3], [sflag:s2] =	dma.local @!p0 [hbm:s0], s1  }
0x37: {  	s0 =	simm.s32 @!p0 $0x1  }
0x38: {  	_ =	swait.ge @!p0 [sflag:s0], s1  }
0x39: {  	s1 =	ssub.s32 @!p0 $0x0, s1;
	[sflag:s0] =	ssyncset.done @!p0 $0x0  }
0x3a: {  	[sflag:s0] =	ssyncadd.s32 @!p0 s1  }
0x3b: {  	[bflag:$0x3] =	sbarrier.arrive $0xFFFF  }
0x3c: {  	_ =	shalt  }

</sc_bundles>
